<compile_context>
chip_gen: v7x
topology: tpu7x:2x2x1
jax: 0.10.2.dev20260603
libtpu: 0.0.44.dev20260713+nightly
codegen_flags: <defaults>
</compile_context>

<pallas_src>
import functools

import jax
import jax.numpy as jnp
from jax import lax
from jax.experimental import pallas as pl
from jax.experimental.pallas import tpu as pltpu
from jax.experimental.pallas import tpu_sc as plsc

D_MODEL = 2048
D_FF = 4096
E = 8
B = 32
LANES = 128
FF_BLK = 512
NF = D_FF // FF_BLK

_SC_INFO = plsc.get_sparse_core_info()
_NC = _SC_INFO.num_cores
_NS = _SC_INFO.num_subcores
_SC_L = _SC_INFO.num_lanes
_NW = _NC * _NS
_NCHUNK = D_MODEL // _SC_L


def _sc_permute(v, idx):
    return lax.gather(
        v, idx[:, None],
        lax.GatherDimensionNumbers(
            offset_dims=(), collapsed_slice_dims=(0,), start_index_map=(0,)),
        (1,), mode=lax.GatherScatterMode.PROMISE_IN_BOUNDS)


def _sc_gate(x_hbm, gwt_hbm, out_hbm, xrow_v, gwt_v, crow_v):
    wid = lax.axis_index("s") * _NC + lax.axis_index("c")
    pltpu.sync_copy(x_hbm.at[wid], xrow_v)
    pltpu.sync_copy(gwt_hbm, gwt_v)

    def body(j, accs):
        off = pl.multiple_of(j * _SC_L, _SC_L)
        xc = xrow_v[pl.ds(off, _SC_L)]
        return tuple(acc + xc * gwt_v[e, pl.ds(off, _SC_L)]
                     for e, acc in enumerate(accs))

    accs = lax.fori_loop(
        0, _NCHUNK, body,
        tuple(jnp.zeros((_SC_L,), jnp.float32) for _ in range(E)))

    iota = lax.broadcasted_iota(jnp.int32, (_SC_L,), 0)

    def lanesum(v):
        for s in (8, 4, 2, 1):
            v = v + _sc_permute(v, iota ^ s)
        return v

    def lanemax(v):
        for s in (8, 4, 2, 1):
            v = jnp.maximum(v, _sc_permute(v, iota ^ s))
        return v

    def lanemin(v):
        for s in (8, 4, 2, 1):
            v = jnp.minimum(v, _sc_permute(v, iota ^ s))
        return v

    neg = jnp.float32(-1e30)
    lv = jnp.full((_SC_L,), neg, jnp.float32)
    for e in range(E):
        lv = jnp.where(iota == e, lanesum(accs[e]), lv)
    m1 = lanemax(lv)
    i1 = lanemin(jnp.where(lv == m1, iota, _SC_L))
    lv2 = jnp.where(iota == i1, neg, lv)
    m2 = lanemax(lv2)
    i2 = lanemin(jnp.where(lv2 == m2, iota, _SC_L))
    z = jnp.exp(m2 - m1)
    p1 = 1.0 / (1.0 + z)
    p2 = 1.0 - p1
    crow_v[...] = (jnp.where(iota == i1, p1, 0.0)
                   + jnp.where(iota == i2, p2, 0.0))
    pltpu.sync_copy(crow_v, out_hbm.at[wid])


def _routing_coeffs(x, gwt):
    k = functools.partial(
        pl.kernel,
        mesh=plsc.VectorSubcoreMesh(core_axis_name="c", subcore_axis_name="s"),
        out_type=jax.ShapeDtypeStruct((B, _SC_L), jnp.float32),
        scratch_types=[
            pltpu.VMEM((D_MODEL,), jnp.float32),
            pltpu.VMEM((E, D_MODEL), jnp.float32),
            pltpu.VMEM((_SC_L,), jnp.float32),
        ],
    )(_sc_gate)
    return k(x, gwt)


def _experts_kernel(x_ref, w1_ref, w3_ref, w2_ref, ys_ref):
    f = pl.program_id(1)
    x = x_ref[...]
    h = jax.nn.silu(jnp.dot(x, w1_ref[0], preferred_element_type=jnp.float32))
    h = h * jnp.dot(x, w3_ref[0], preferred_element_type=jnp.float32)
    y = jnp.dot(h, w2_ref[0], preferred_element_type=jnp.float32)

    @pl.when(f == 0)
    def _init():
        ys_ref[0] = y

    @pl.when(f != 0)
    def _acc():
        ys_ref[0] += y


def _combine_kernel(c_ref, ys_ref, out_ref):
    c = c_ref[...]
    acc = c[:, 0:1] * ys_ref[0]
    for e in range(1, E):
        acc += c[:, e:e + 1] * ys_ref[e]
    out_ref[...] = acc


def kernel(input_i_1SBH, gate_W, w1, w2, w3):
    x = input_i_1SBH.reshape(B, D_MODEL)
    gwt = gate_W.T
    coeff = _routing_coeffs(x, gwt)
    ys = pl.pallas_call(
        _experts_kernel,
        grid=(E, NF),
        in_specs=[
            pl.BlockSpec((B, D_MODEL), lambda e, f: (0, 0)),
            pl.BlockSpec((1, D_MODEL, FF_BLK), lambda e, f: (e, 0, f)),
            pl.BlockSpec((1, D_MODEL, FF_BLK), lambda e, f: (e, 0, f)),
            pl.BlockSpec((1, FF_BLK, D_MODEL), lambda e, f: (e, f, 0)),
        ],
        out_specs=pl.BlockSpec((1, B, D_MODEL), lambda e, f: (e, 0, 0)),
        out_shape=jax.ShapeDtypeStruct((E, B, D_MODEL), jnp.float32),
        compiler_params=pltpu.CompilerParams(
            dimension_semantics=("arbitrary", "arbitrary"),
        ),
    )(x, w1, w3, w2)
    out = pl.pallas_call(
        _combine_kernel,
        in_specs=[
            pl.BlockSpec((B, _SC_L), lambda: (0, 0)),
            pl.BlockSpec((E, B, D_MODEL), lambda: (0, 0, 0)),
        ],
        out_specs=pl.BlockSpec((B, D_MODEL), lambda: (0, 0)),
        out_shape=jax.ShapeDtypeStruct((B, D_MODEL), jnp.float32),
    )(coeff, ys)
    return out.reshape(input_i_1SBH.shape)

# --- scband reference (transcript-rebuilt; emitter-appended) ---
"""Pipeline reference for scband-tt-moe-layer-36086315221556 (READ-ONLY COPY).

The authoritative reference and input builder live on the scoring server;
editing this copy changes nothing except your own understanding.
"""

import jax, jax.numpy as jnp
import numpy as np

D_MODEL = 2048
D_FF = 4096
E = 8
TOP_K = 2
B = 32


def setup_inputs(seed: int = 0) -> dict:
    key = jax.random.key(seed)
    ks = jax.random.split(key, 5)
    input_i_1SBH = jax.random.normal(ks[0], (1, 1, B, D_MODEL), dtype=jnp.float32)
    gate_W = jax.random.normal(ks[1], (D_MODEL, E), dtype=jnp.float32) * 0.02
    w1 = jax.random.normal(ks[2], (E, D_MODEL, D_FF), dtype=jnp.float32) * 0.02
    w3 = jax.random.normal(ks[3], (E, D_MODEL, D_FF), dtype=jnp.float32) * 0.02
    w2 = jax.random.normal(ks[4], (E, D_FF, D_MODEL), dtype=jnp.float32) * 0.02
    return {"input_i_1SBH": input_i_1SBH, "gate_W": gate_W, "w1": w1, "w2": w2, "w3": w3}


def reference(input_i_1SBH, gate_W, w1, w2, w3):
    # input: (S=1, 1, B=32, H=2048) as in the TT docstring
    x = input_i_1SBH.reshape(-1, D_MODEL)  # [B, H]
    # Gate: original pads gate weight from 8 -> 64 cols with zeros and masks the
    # padded logits with -inf (top8_mask); mathematically equivalent to top-k over 8.
    logits = x @ gate_W  # [B, E]
    top_vals, top_idx = jax.lax.top_k(logits, TOP_K)  # top-2 of 8 (top2_mask equiv)
    probs = jax.nn.softmax(top_vals, axis=-1)  # [B, TOP_K]
    out = jnp.zeros_like(x)
    for e in range(E):
        # routing coefficient for expert e per token (0 if not selected)
        coeff = jnp.sum(probs * (top_idx == e).astype(probs.dtype), axis=-1)  # [B]
        # Mixtral SwiGLU expert MLP
        h = jax.nn.silu(x @ w1[e]) * (x @ w3[e])
        y = h @ w2[e]
        out = out + coeff[:, None] * y
    # The trailing all_gather + masked reduce in the TT kernel is the multi-device
    # combine; on a single logical device it is the identity on the combined output.
    return out.reshape(input_i_1SBH.shape)

if __name__ == "__main__":
    import jax
    _d = setup_inputs()
    print(jax.jit(kernel)(*tuple(_d.values())))

</pallas_src>

<mosaic_0001>
#map = affine_map<(d0, d1) -> (0, 0)>
module attributes {stable_mosaic.version = 14 : i64} {
  func.func @_sc_gate(%arg0: i32, %arg1: i32, %arg2: memref<32x2048xf32, #tpu.memory_space<hbm>>, %arg3: memref<8x2048xf32, #tpu.memory_space<hbm>>, %arg4: memref<32x16xf32, #tpu.memory_space<hbm>>, %arg5: memref<2048xf32, #tpu.memory_space<vmem>>, %arg6: memref<8x2048xf32, #tpu.memory_space<vmem>>, %arg7: memref<16xf32, #tpu.memory_space<vmem>>) attributes {dimension_semantics = [#tpu.dimension_semantics<core_parallel>, #tpu.dimension_semantics<subcore_parallel>], iteration_bounds = array<i64: 2, 16>, scalar_prefetch = 0 : i64, scratch_operands = 3 : i64, tpu.core_type = #tpu.core_type<sc_vector_subcore>, window_params = [{transform_indices = #map}, {transform_indices = #map}, {transform_indices = #map}]} {
    %mul3A = arith.constant 2 : i32
    %mul3A_0 = arith.muli %arg1, %mul3A : i32
    %add3A = arith.addi %mul3A_0, %arg0 : i32
    "tpu.region"() ({
      %run_scoped3A = tpu.sem_alloc : memref<!tpu.dma_semaphore, #tpu.memory_space<semaphore_mem>>
      %dma_start3A = arith.constant 0 : i32
      %dma_start3A_416 = tpu.memref_slice %arg2[%add3A, %dma_start3A] : memref<32x2048xf32, #tpu.memory_space<hbm>> -> memref<1x2048xf32, #tpu.memory_space<hbm>>
      %dma_start3A_417 = tpu.memref_squeeze %dma_start3A_416 : memref<1x2048xf32, #tpu.memory_space<hbm>> -> memref<2048xf32, #tpu.memory_space<hbm>>
      %dma_start3A_418 = arith.constant 0 : i32
      %dma_start3A_419 = tpu.memref_slice %arg2[%add3A, %dma_start3A_418] : memref<32x2048xf32, #tpu.memory_space<hbm>> -> memref<1x2048xf32, #tpu.memory_space<hbm>>
      %dma_start3A_420 = tpu.memref_squeeze %dma_start3A_419 : memref<1x2048xf32, #tpu.memory_space<hbm>> -> memref<2048xf32, #tpu.memory_space<hbm>>
      tpu.enqueue_dma source(%dma_start3A_420 : memref<2048xf32, #tpu.memory_space<hbm>>) target(%arg5 : memref<2048xf32, #tpu.memory_space<vmem>>) target_semaphore(%run_scoped3A : memref<!tpu.dma_semaphore, #tpu.memory_space<semaphore_mem>>)
      %dma_wait3A = arith.constant 0 : i32
      %dma_wait3A_421 = tpu.memref_slice %arg2[%add3A, %dma_wait3A] : memref<32x2048xf32, #tpu.memory_space<hbm>> -> memref<1x2048xf32, #tpu.memory_space<hbm>>
      %dma_wait3A_422 = tpu.memref_squeeze %dma_wait3A_421 : memref<1x2048xf32, #tpu.memory_space<hbm>> -> memref<2048xf32, #tpu.memory_space<hbm>>
      %dma_wait3A_423 = arith.constant 0 : i32
      %dma_wait3A_424 = tpu.memref_slice %arg2[%add3A, %dma_wait3A_423] : memref<32x2048xf32, #tpu.memory_space<hbm>> -> memref<1x2048xf32, #tpu.memory_space<hbm>>
      %dma_wait3A_425 = tpu.memref_squeeze %dma_wait3A_424 : memref<1x2048xf32, #tpu.memory_space<hbm>> -> memref<2048xf32, #tpu.memory_space<hbm>>
      tpu.wait_dma2 semaphore(%run_scoped3A : memref<!tpu.dma_semaphore, #tpu.memory_space<semaphore_mem>>) src(%dma_wait3A_425 : memref<2048xf32, #tpu.memory_space<hbm>>) dst(%arg5 : memref<2048xf32, #tpu.memory_space<vmem>>)
      tpu.yield
    }) : () -> ()
    "tpu.region"() ({
      %run_scoped3A = tpu.sem_alloc : memref<!tpu.dma_semaphore, #tpu.memory_space<semaphore_mem>>
      tpu.enqueue_dma source(%arg3 : memref<8x2048xf32, #tpu.memory_space<hbm>>) target(%arg6 : memref<8x2048xf32, #tpu.memory_space<vmem>>) target_semaphore(%run_scoped3A : memref<!tpu.dma_semaphore, #tpu.memory_space<semaphore_mem>>)
      tpu.wait_dma2 semaphore(%run_scoped3A : memref<!tpu.dma_semaphore, #tpu.memory_space<semaphore_mem>>) src(%arg3 : memref<8x2048xf32, #tpu.memory_space<hbm>>) dst(%arg6 : memref<8x2048xf32, #tpu.memory_space<vmem>>)
      tpu.yield
    }) : () -> ()
    %broadcast_in_dim3A = arith.constant 0.000000e+00 : f32
    %broadcast_in_dim3A_1 = vector.broadcast %broadcast_in_dim3A : f32 to vector<16xf32>
    %broadcast_in_dim3A_2 = arith.constant 0.000000e+00 : f32
    %broadcast_in_dim3A_3 = vector.broadcast %broadcast_in_dim3A_2 : f32 to vector<16xf32>
    %broadcast_in_dim3A_4 = arith.constant 0.000000e+00 : f32
    %broadcast_in_dim3A_5 = vector.broadcast %broadcast_in_dim3A_4 : f32 to vector<16xf32>
    %broadcast_in_dim3A_6 = arith.constant 0.000000e+00 : f32
    %broadcast_in_dim3A_7 = vector.broadcast %broadcast_in_dim3A_6 : f32 to vector<16xf32>
    %broadcast_in_dim3A_8 = arith.constant 0.000000e+00 : f32
    %broadcast_in_dim3A_9 = vector.broadcast %broadcast_in_dim3A_8 : f32 to vector<16xf32>
    %broadcast_in_dim3A_10 = arith.constant 0.000000e+00 : f32
    %broadcast_in_dim3A_11 = vector.broadcast %broadcast_in_dim3A_10 : f32 to vector<16xf32>
    %broadcast_in_dim3A_12 = arith.constant 0.000000e+00 : f32
    %broadcast_in_dim3A_13 = vector.broadcast %broadcast_in_dim3A_12 : f32 to vector<16xf32>
    %broadcast_in_dim3A_14 = arith.constant 0.000000e+00 : f32
    %broadcast_in_dim3A_15 = vector.broadcast %broadcast_in_dim3A_14 : f32 to vector<16xf32>
    %scan3A = arith.constant 0 : i32
    %scan3A_16 = arith.constant 128 : i32
    %scan3A_17 = arith.addi %scan3A, %scan3A_16 : i32
    %scan3A_18 = arith.constant 1 : i32
    %scan3A_19:8 = scf.for %scan3A_416 = %scan3A to %scan3A_17 step %scan3A_18 iter_args(%scan3A_417 = %broadcast_in_dim3A_1, %scan3A_418 = %broadcast_in_dim3A_3, %scan3A_419 = %broadcast_in_dim3A_5, %scan3A_420 = %broadcast_in_dim3A_7, %scan3A_421 = %broadcast_in_dim3A_9, %scan3A_422 = %broadcast_in_dim3A_11, %scan3A_423 = %broadcast_in_dim3A_13, %scan3A_424 = %broadcast_in_dim3A_15) -> (vector<16xf32>, vector<16xf32>, vector<16xf32>, vector<16xf32>, vector<16xf32>, vector<16xf32>, vector<16xf32>, vector<16xf32>)  : i32 {
      %mul3A_425 = arith.constant 16 : i32
      %mul3A_426 = arith.muli %scan3A_416, %mul3A_425 : i32
      %multiple_of3A = tpu.assume_multiple %mul3A_426, 16 : i32
      %get3A = arith.index_cast %multiple_of3A : i32 to index
      %get3A_427 = tpu.vector_load %arg5[%get3A] {strides = array<i32>} : memref<2048xf32, #tpu.memory_space<vmem>>, vector<16xf32>,
      %get3A_428 = vector.shape_cast %get3A_427 : vector<16xf32> to vector<16xf32>
      %get3A_429 = arith.constant 0 : i32
      %get3A_430 = arith.index_cast %get3A_429 : i32 to index
      %get3A_431 = arith.index_cast %multiple_of3A : i32 to index
      %get3A_432 = tpu.vector_load %arg6[%get3A_430, %get3A_431] {strides = array<i32>} : memref<8x2048xf32, #tpu.memory_space<vmem>>, vector<1x16xf32>,
      %get3A_433 = vector.shape_cast %get3A_432 : vector<1x16xf32> to vector<16xf32>
      %mul3A_434 = arith.mulf %get3A_428, %get3A_433 : vector<16xf32>
      %add3A_435 = arith.addf %scan3A_417, %mul3A_434 : vector<16xf32>
      %get3A_436 = arith.constant 1 : i32
      %get3A_437 = arith.index_cast %get3A_436 : i32 to index
      %get3A_438 = arith.index_cast %multiple_of3A : i32 to index
      %get3A_439 = tpu.vector_load %arg6[%get3A_437, %get3A_438] {strides = array<i32>} : memref<8x2048xf32, #tpu.memory_space<vmem>>, vector<1x16xf32>,
      %get3A_440 = vector.shape_cast %get3A_439 : vector<1x16xf32> to vector<16xf32>
      %mul3A_441 = arith.mulf %get3A_428, %get3A_440 : vector<16xf32>
      %add3A_442 = arith.addf %scan3A_418, %mul3A_441 : vector<16xf32>
      %get3A_443 = arith.constant 2 : i32
      %get3A_444 = arith.index_cast %get3A_443 : i32 to index
      %get3A_445 = arith.index_cast %multiple_of3A : i32 to index
      %get3A_446 = tpu.vector_load %arg6[%get3A_444, %get3A_445] {strides = array<i32>} : memref<8x2048xf32, #tpu.memory_space<vmem>>, vector<1x16xf32>,
      %get3A_447 = vector.shape_cast %get3A_446 : vector<1x16xf32> to vector<16xf32>
      %mul3A_448 = arith.mulf %get3A_428, %get3A_447 : vector<16xf32>
      %add3A_449 = arith.addf %scan3A_419, %mul3A_448 : vector<16xf32>
      %get3A_450 = arith.constant 3 : i32
      %get3A_451 = arith.index_cast %get3A_450 : i32 to index
      %get3A_452 = arith.index_cast %multiple_of3A : i32 to index
      %get3A_453 = tpu.vector_load %arg6[%get3A_451, %get3A_452] {strides = array<i32>} : memref<8x2048xf32, #tpu.memory_space<vmem>>, vector<1x16xf32>,
      %get3A_454 = vector.shape_cast %get3A_453 : vector<1x16xf32> to vector<16xf32>
      %mul3A_455 = arith.mulf %get3A_428, %get3A_454 : vector<16xf32>
      %add3A_456 = arith.addf %scan3A_420, %mul3A_455 : vector<16xf32>
      %get3A_457 = arith.constant 4 : i32
      %get3A_458 = arith.index_cast %get3A_457 : i32 to index
      %get3A_459 = arith.index_cast %multiple_of3A : i32 to index
      %get3A_460 = tpu.vector_load %arg6[%get3A_458, %get3A_459] {strides = array<i32>} : memref<8x2048xf32, #tpu.memory_space<vmem>>, vector<1x16xf32>,
      %get3A_461 = vector.shape_cast %get3A_460 : vector<1x16xf32> to vector<16xf32>
      %mul3A_462 = arith.mulf %get3A_428, %get3A_461 : vector<16xf32>
      %add3A_463 = arith.addf %scan3A_421, %mul3A_462 : vector<16xf32>
      %get3A_464 = arith.constant 5 : i32
      %get3A_465 = arith.index_cast %get3A_464 : i32 to index
      %get3A_466 = arith.index_cast %multiple_of3A : i32 to index
      %get3A_467 = tpu.vector_load %arg6[%get3A_465, %get3A_466] {strides = array<i32>} : memref<8x2048xf32, #tpu.memory_space<vmem>>, vector<1x16xf32>,
      %get3A_468 = vector.shape_cast %get3A_467 : vector<1x16xf32> to vector<16xf32>
      %mul3A_469 = arith.mulf %get3A_428, %get3A_468 : vector<16xf32>
      %add3A_470 = arith.addf %scan3A_422, %mul3A_469 : vector<16xf32>
      %get3A_471 = arith.constant 6 : i32
      %get3A_472 = arith.index_cast %get3A_471 : i32 to index
      %get3A_473 = arith.index_cast %multiple_of3A : i32 to index
      %get3A_474 = tpu.vector_load %arg6[%get3A_472, %get3A_473] {strides = array<i32>} : memref<8x2048xf32, #tpu.memory_space<vmem>>, vector<1x16xf32>,
      %get3A_475 = vector.shape_cast %get3A_474 : vector<1x16xf32> to vector<16xf32>
      %mul3A_476 = arith.mulf %get3A_428, %get3A_475 : vector<16xf32>
      %add3A_477 = arith.addf %scan3A_423, %mul3A_476 : vector<16xf32>
      %get3A_478 = arith.constant 7 : i32
      %get3A_479 = arith.index_cast %get3A_478 : i32 to index
      %get3A_480 = arith.index_cast %multiple_of3A : i32 to index
      %get3A_481 = tpu.vector_load %arg6[%get3A_479, %get3A_480] {strides = array<i32>} : memref<8x2048xf32, #tpu.memory_space<vmem>>, vector<1x16xf32>,
      %get3A_482 = vector.shape_cast %get3A_481 : vector<1x16xf32> to vector<16xf32>
      %mul3A_483 = arith.mulf %get3A_428, %get3A_482 : vector<16xf32>
      %add3A_484 = arith.addf %scan3A_424, %mul3A_483 : vector<16xf32>
      scf.yield %add3A_435, %add3A_442, %add3A_449, %add3A_456, %add3A_463, %add3A_470, %add3A_477, %add3A_484 : vector<16xf32>, vector<16xf32>, vector<16xf32>, vector<16xf32>, vector<16xf32>, vector<16xf32>, vector<16xf32>, vector<16xf32>
    }
    %scan3A_20 = arith.constant 128 : i32
    %iota3A = tpu.iota {dimensions = array<i32: 0>} : vector<16xi32>
    %broadcast_in_dim3A_21 = arith.constant -1.000000e+30 : f32
    %broadcast_in_dim3A_22 = vector.broadcast %broadcast_in_dim3A_21 : f32 to vector<16xf32>
    %eq3A = arith.constant 0 : i32
    %eq3A_23 = vector.broadcast %eq3A : i32 to vector<16xi32>
    %eq3A_24 = arith.cmpi eq, %iota3A, %eq3A_23 : vector<16xi32>
    %xor3A = arith.constant 8 : i32
    %xor3A_25 = vector.broadcast %xor3A : i32 to vector<16xi32>
    %xor3A_26 = arith.xori %iota3A, %xor3A_25 : vector<16xi32>
    %broadcast_in_dim3A_27 = vector.shape_cast %xor3A_26 : vector<16xi32> to vector<16x1xi32>
    %gather3A = vector.shape_cast %broadcast_in_dim3A_27 : vector<16x1xi32> to vector<16xi32>
    %gather3A_28 = tpu.dynamic_gather %scan3A_19#0[%gather3A] in [0] : vector<16xf32>, vector<16xi32> -> vector<16xf32>
    %add3A_29 = arith.addf %scan3A_19#0, %gather3A_28 : vector<16xf32>
    %xor3A_30 = arith.constant 4 : i32
    %xor3A_31 = vector.broadcast %xor3A_30 : i32 to vector<16xi32>
    %xor3A_32 = arith.xori %iota3A, %xor3A_31 : vector<16xi32>
    %broadcast_in_dim3A_33 = vector.shape_cast %xor3A_32 : vector<16xi32> to vector<16x1xi32>
    %gather3A_34 = vector.shape_cast %broadcast_in_dim3A_33 : vector<16x1xi32> to vector<16xi32>
    %gather3A_35 = tpu.dynamic_gather %add3A_29[%gather3A_34] in [0] : vector<16xf32>, vector<16xi32> -> vector<16xf32>
    %add3A_36 = arith.addf %add3A_29, %gather3A_35 : vector<16xf32>
    %xor3A_37 = arith.constant 2 : i32
    %xor3A_38 = vector.broadcast %xor3A_37 : i32 to vector<16xi32>
    %xor3A_39 = arith.xori %iota3A, %xor3A_38 : vector<16xi32>
    %broadcast_in_dim3A_40 = vector.shape_cast %xor3A_39 : vector<16xi32> to vector<16x1xi32>
    %gather3A_41 = vector.shape_cast %broadcast_in_dim3A_40 : vector<16x1xi32> to vector<16xi32>
    %gather3A_42 = tpu.dynamic_gather %add3A_36[%gather3A_41] in [0] : vector<16xf32>, vector<16xi32> -> vector<16xf32>
    %add3A_43 = arith.addf %add3A_36, %gather3A_42 : vector<16xf32>
    %xor3A_44 = arith.constant 1 : i32
    %xor3A_45 = vector.broadcast %xor3A_44 : i32 to vector<16xi32>
    %xor3A_46 = arith.xori %iota3A, %xor3A_45 : vector<16xi32>
    %broadcast_in_dim3A_47 = vector.shape_cast %xor3A_46 : vector<16xi32> to vector<16x1xi32>
    %gather3A_48 = vector.shape_cast %broadcast_in_dim3A_47 : vector<16x1xi32> to vector<16xi32>
    %gather3A_49 = tpu.dynamic_gather %add3A_43[%gather3A_48] in [0] : vector<16xf32>, vector<16xi32> -> vector<16xf32>
    %add3A_50 = arith.addf %add3A_43, %gather3A_49 : vector<16xf32>
    %select_n3A = arith.select %eq3A_24, %add3A_50, %broadcast_in_dim3A_22 : vector<16xi1>, vector<16xf32>
    %eq3A_51 = arith.constant 1 : i32
    %eq3A_52 = vector.broadcast %eq3A_51 : i32 to vector<16xi32>
    %eq3A_53 = arith.cmpi eq, %iota3A, %eq3A_52 : vector<16xi32>
    %xor3A_54 = arith.constant 8 : i32
    %xor3A_55 = vector.broadcast %xor3A_54 : i32 to vector<16xi32>
    %xor3A_56 = arith.xori %iota3A, %xor3A_55 : vector<16xi32>
    %broadcast_in_dim3A_57 = vector.shape_cast %xor3A_56 : vector<16xi32> to vector<16x1xi32>
    %gather3A_58 = vector.shape_cast %broadcast_in_dim3A_57 : vector<16x1xi32> to vector<16xi32>
    %gather3A_59 = tpu.dynamic_gather %scan3A_19#1[%gather3A_58] in [0] : vector<16xf32>, vector<16xi32> -> vector<16xf32>
    %add3A_60 = arith.addf %scan3A_19#1, %gather3A_59 : vector<16xf32>
    %xor3A_61 = arith.constant 4 : i32
    %xor3A_62 = vector.broadcast %xor3A_61 : i32 to vector<16xi32>
    %xor3A_63 = arith.xori %iota3A, %xor3A_62 : vector<16xi32>
    %broadcast_in_dim3A_64 = vector.shape_cast %xor3A_63 : vector<16xi32> to vector<16x1xi32>
    %gather3A_65 = vector.shape_cast %broadcast_in_dim3A_64 : vector<16x1xi32> to vector<16xi32>
    %gather3A_66 = tpu.dynamic_gather %add3A_60[%gather3A_65] in [0] : vector<16xf32>, vector<16xi32> -> vector<16xf32>
    %add3A_67 = arith.addf %add3A_60, %gather3A_66 : vector<16xf32>
    %xor3A_68 = arith.constant 2 : i32
    %xor3A_69 = vector.broadcast %xor3A_68 : i32 to vector<16xi32>
    %xor3A_70 = arith.xori %iota3A, %xor3A_69 : vector<16xi32>
    %broadcast_in_dim3A_71 = vector.shape_cast %xor3A_70 : vector<16xi32> to vector<16x1xi32>
    %gather3A_72 = vector.shape_cast %broadcast_in_dim3A_71 : vector<16x1xi32> to vector<16xi32>
    %gather3A_73 = tpu.dynamic_gather %add3A_67[%gather3A_72] in [0] : vector<16xf32>, vector<16xi32> -> vector<16xf32>
    %add3A_74 = arith.addf %add3A_67, %gather3A_73 : vector<16xf32>
    %xor3A_75 = arith.constant 1 : i32
    %xor3A_76 = vector.broadcast %xor3A_75 : i32 to vector<16xi32>
    %xor3A_77 = arith.xori %iota3A, %xor3A_76 : vector<16xi32>
    %broadcast_in_dim3A_78 = vector.shape_cast %xor3A_77 : vector<16xi32> to vector<16x1xi32>
    %gather3A_79 = vector.shape_cast %broadcast_in_dim3A_78 : vector<16x1xi32> to vector<16xi32>
    %gather3A_80 = tpu.dynamic_gather %add3A_74[%gather3A_79] in [0] : vector<16xf32>, vector<16xi32> -> vector<16xf32>
    %add3A_81 = arith.addf %add3A_74, %gather3A_80 : vector<16xf32>
    %select_n3A_82 = arith.select %eq3A_53, %add3A_81, %select_n3A : vector<16xi1>, vector<16xf32>
    %eq3A_83 = arith.constant 2 : i32
    %eq3A_84 = vector.broadcast %eq3A_83 : i32 to vector<16xi32>
    %eq3A_85 = arith.cmpi eq, %iota3A, %eq3A_84 : vector<16xi32>
    %xor3A_86 = arith.constant 8 : i32
    %xor3A_87 = vector.broadcast %xor3A_86 : i32 to vector<16xi32>
    %xor3A_88 = arith.xori %iota3A, %xor3A_87 : vector<16xi32>
    %broadcast_in_dim3A_89 = vector.shape_cast %xor3A_88 : vector<16xi32> to vector<16x1xi32>
    %gather3A_90 = vector.shape_cast %broadcast_in_dim3A_89 : vector<16x1xi32> to vector<16xi32>
    %gather3A_91 = tpu.dynamic_gather %scan3A_19#2[%gather3A_90] in [0] : vector<16xf32>, vector<16xi32> -> vector<16xf32>
    %add3A_92 = arith.addf %scan3A_19#2, %gather3A_91 : vector<16xf32>
    %xor3A_93 = arith.constant 4 : i32
    %xor3A_94 = vector.broadcast %xor3A_93 : i32 to vector<16xi32>
    %xor3A_95 = arith.xori %iota3A, %xor3A_94 : vector<16xi32>
    %broadcast_in_dim3A_96 = vector.shape_cast %xor3A_95 : vector<16xi32> to vector<16x1xi32>
    %gather3A_97 = vector.shape_cast %broadcast_in_dim3A_96 : vector<16x1xi32> to vector<16xi32>
    %gather3A_98 = tpu.dynamic_gather %add3A_92[%gather3A_97] in [0] : vector<16xf32>, vector<16xi32> -> vector<16xf32>
    %add3A_99 = arith.addf %add3A_92, %gather3A_98 : vector<16xf32>
    %xor3A_100 = arith.constant 2 : i32
    %xor3A_101 = vector.broadcast %xor3A_100 : i32 to vector<16xi32>
    %xor3A_102 = arith.xori %iota3A, %xor3A_101 : vector<16xi32>
    %broadcast_in_dim3A_103 = vector.shape_cast %xor3A_102 : vector<16xi32> to vector<16x1xi32>
    %gather3A_104 = vector.shape_cast %broadcast_in_dim3A_103 : vector<16x1xi32> to vector<16xi32>
    %gather3A_105 = tpu.dynamic_gather %add3A_99[%gather3A_104] in [0] : vector<16xf32>, vector<16xi32> -> vector<16xf32>
    %add3A_106 = arith.addf %add3A_99, %gather3A_105 : vector<16xf32>
    %xor3A_107 = arith.constant 1 : i32
    %xor3A_108 = vector.broadcast %xor3A_107 : i32 to vector<16xi32>
    %xor3A_109 = arith.xori %iota3A, %xor3A_108 : vector<16xi32>
    %broadcast_in_dim3A_110 = vector.shape_cast %xor3A_109 : vector<16xi32> to vector<16x1xi32>
    %gather3A_111 = vector.shape_cast %broadcast_in_dim3A_110 : vector<16x1xi32> to vector<16xi32>
    %gather3A_112 = tpu.dynamic_gather %add3A_106[%gather3A_111] in [0] : vector<16xf32>, vector<16xi32> -> vector<16xf32>
    %add3A_113 = arith.addf %add3A_106, %gather3A_112 : vector<16xf32>
    %select_n3A_114 = arith.select %eq3A_85, %add3A_113, %select_n3A_82 : vector<16xi1>, vector<16xf32>
    %eq3A_115 = arith.constant 3 : i32
    %eq3A_116 = vector.broadcast %eq3A_115 : i32 to vector<16xi32>
    %eq3A_117 = arith.cmpi eq, %iota3A, %eq3A_116 : vector<16xi32>
    %xor3A_118 = arith.constant 8 : i32
    %xor3A_119 = vector.broadcast %xor3A_118 : i32 to vector<16xi32>
    %xor3A_120 = arith.xori %iota3A, %xor3A_119 : vector<16xi32>
    %broadcast_in_dim3A_121 = vector.shape_cast %xor3A_120 : vector<16xi32> to vector<16x1xi32>
    %gather3A_122 = vector.shape_cast %broadcast_in_dim3A_121 : vector<16x1xi32> to vector<16xi32>
    %gather3A_123 = tpu.dynamic_gather %scan3A_19#3[%gather3A_122] in [0] : vector<16xf32>, vector<16xi32> -> vector<16xf32>
    %add3A_124 = arith.addf %scan3A_19#3, %gather3A_123 : vector<16xf32>
    %xor3A_125 = arith.constant 4 : i32
    %xor3A_126 = vector.broadcast %xor3A_125 : i32 to vector<16xi32>
    %xor3A_127 = arith.xori %iota3A, %xor3A_126 : vector<16xi32>
    %broadcast_in_dim3A_128 = vector.shape_cast %xor3A_127 : vector<16xi32> to vector<16x1xi32>
    %gather3A_129 = vector.shape_cast %broadcast_in_dim3A_128 : vector<16x1xi32> to vector<16xi32>
    %gather3A_130 = tpu.dynamic_gather %add3A_124[%gather3A_129] in [0] : vector<16xf32>, vector<16xi32> -> vector<16xf32>
    %add3A_131 = arith.addf %add3A_124, %gather3A_130 : vector<16xf32>
    %xor3A_132 = arith.constant 2 : i32
    %xor3A_133 = vector.broadcast %xor3A_132 : i32 to vector<16xi32>
    %xor3A_134 = arith.xori %iota3A, %xor3A_133 : vector<16xi32>
    %broadcast_in_dim3A_135 = vector.shape_cast %xor3A_134 : vector<16xi32> to vector<16x1xi32>
    %gather3A_136 = vector.shape_cast %broadcast_in_dim3A_135 : vector<16x1xi32> to vector<16xi32>
    %gather3A_137 = tpu.dynamic_gather %add3A_131[%gather3A_136] in [0] : vector<16xf32>, vector<16xi32> -> vector<16xf32>
    %add3A_138 = arith.addf %add3A_131, %gather3A_137 : vector<16xf32>
    %xor3A_139 = arith.constant 1 : i32
    %xor3A_140 = vector.broadcast %xor3A_139 : i32 to vector<16xi32>
    %xor3A_141 = arith.xori %iota3A, %xor3A_140 : vector<16xi32>
    %broadcast_in_dim3A_142 = vector.shape_cast %xor3A_141 : vector<16xi32> to vector<16x1xi32>
    %gather3A_143 = vector.shape_cast %broadcast_in_dim3A_142 : vector<16x1xi32> to vector<16xi32>
    %gather3A_144 = tpu.dynamic_gather %add3A_138[%gather3A_143] in [0] : vector<16xf32>, vector<16xi32> -> vector<16xf32>
    %add3A_145 = arith.addf %add3A_138, %gather3A_144 : vector<16xf32>
    %select_n3A_146 = arith.select %eq3A_117, %add3A_145, %select_n3A_114 : vector<16xi1>, vector<16xf32>
    %eq3A_147 = arith.constant 4 : i32
    %eq3A_148 = vector.broadcast %eq3A_147 : i32 to vector<16xi32>
    %eq3A_149 = arith.cmpi eq, %iota3A, %eq3A_148 : vector<16xi32>
    %xor3A_150 = arith.constant 8 : i32
    %xor3A_151 = vector.broadcast %xor3A_150 : i32 to vector<16xi32>
    %xor3A_152 = arith.xori %iota3A, %xor3A_151 : vector<16xi32>
    %broadcast_in_dim3A_153 = vector.shape_cast %xor3A_152 : vector<16xi32> to vector<16x1xi32>
    %gather3A_154 = vector.shape_cast %broadcast_in_dim3A_153 : vector<16x1xi32> to vector<16xi32>
    %gather3A_155 = tpu.dynamic_gather %scan3A_19#4[%gather3A_154] in [0] : vector<16xf32>, vector<16xi32> -> vector<16xf32>
    %add3A_156 = arith.addf %scan3A_19#4, %gather3A_155 : vector<16xf32>
    %xor3A_157 = arith.constant 4 : i32
    %xor3A_158 = vector.broadcast %xor3A_157 : i32 to vector<16xi32>
    %xor3A_159 = arith.xori %iota3A, %xor3A_158 : vector<16xi32>
    %broadcast_in_dim3A_160 = vector.shape_cast %xor3A_159 : vector<16xi32> to vector<16x1xi32>
    %gather3A_161 = vector.shape_cast %broadcast_in_dim3A_160 : vector<16x1xi32> to vector<16xi32>
    %gather3A_162 = tpu.dynamic_gather %add3A_156[%gather3A_161] in [0] : vector<16xf32>, vector<16xi32> -> vector<16xf32>
    %add3A_163 = arith.addf %add3A_156, %gather3A_162 : vector<16xf32>
    %xor3A_164 = arith.constant 2 : i32
    %xor3A_165 = vector.broadcast %xor3A_164 : i32 to vector<16xi32>
    %xor3A_166 = arith.xori %iota3A, %xor3A_165 : vector<16xi32>
    %broadcast_in_dim3A_167 = vector.shape_cast %xor3A_166 : vector<16xi32> to vector<16x1xi32>
    %gather3A_168 = vector.shape_cast %broadcast_in_dim3A_167 : vector<16x1xi32> to vector<16xi32>
    %gather3A_169 = tpu.dynamic_gather %add3A_163[%gather3A_168] in [0] : vector<16xf32>, vector<16xi32> -> vector<16xf32>
    %add3A_170 = arith.addf %add3A_163, %gather3A_169 : vector<16xf32>
    %xor3A_171 = arith.constant 1 : i32
    %xor3A_172 = vector.broadcast %xor3A_171 : i32 to vector<16xi32>
    %xor3A_173 = arith.xori %iota3A, %xor3A_172 : vector<16xi32>
    %broadcast_in_dim3A_174 = vector.shape_cast %xor3A_173 : vector<16xi32> to vector<16x1xi32>
    %gather3A_175 = vector.shape_cast %broadcast_in_dim3A_174 : vector<16x1xi32> to vector<16xi32>
    %gather3A_176 = tpu.dynamic_gather %add3A_170[%gather3A_175] in [0] : vector<16xf32>, vector<16xi32> -> vector<16xf32>
    %add3A_177 = arith.addf %add3A_170, %gather3A_176 : vector<16xf32>
    %select_n3A_178 = arith.select %eq3A_149, %add3A_177, %select_n3A_146 : vector<16xi1>, vector<16xf32>
    %eq3A_179 = arith.constant 5 : i32
    %eq3A_180 = vector.broadcast %eq3A_179 : i32 to vector<16xi32>
    %eq3A_181 = arith.cmpi eq, %iota3A, %eq3A_180 : vector<16xi32>
    %xor3A_182 = arith.constant 8 : i32
    %xor3A_183 = vector.broadcast %xor3A_182 : i32 to vector<16xi32>
    %xor3A_184 = arith.xori %iota3A, %xor3A_183 : vector<16xi32>
    %broadcast_in_dim3A_185 = vector.shape_cast %xor3A_184 : vector<16xi32> to vector<16x1xi32>
    %gather3A_186 = vector.shape_cast %broadcast_in_dim3A_185 : vector<16x1xi32> to vector<16xi32>
    %gather3A_187 = tpu.dynamic_gather %scan3A_19#5[%gather3A_186] in [0] : vector<16xf32>, vector<16xi32> -> vector<16xf32>
    %add3A_188 = arith.addf %scan3A_19#5, %gather3A_187 : vector<16xf32>
    %xor3A_189 = arith.constant 4 : i32
    %xor3A_190 = vector.broadcast %xor3A_189 : i32 to vector<16xi32>
    %xor3A_191 = arith.xori %iota3A, %xor3A_190 : vector<16xi32>
    %broadcast_in_dim3A_192 = vector.shape_cast %xor3A_191 : vector<16xi32> to vector<16x1xi32>
    %gather3A_193 = vector.shape_cast %broadcast_in_dim3A_192 : vector<16x1xi32> to vector<16xi32>
    %gather3A_194 = tpu.dynamic_gather %add3A_188[%gather3A_193] in [0] : vector<16xf32>, vector<16xi32> -> vector<16xf32>
    %add3A_195 = arith.addf %add3A_188, %gather3A_194 : vector<16xf32>
    %xor3A_196 = arith.constant 2 : i32
    %xor3A_197 = vector.broadcast %xor3A_196 : i32 to vector<16xi32>
    %xor3A_198 = arith.xori %iota3A, %xor3A_197 : vector<16xi32>
    %broadcast_in_dim3A_199 = vector.shape_cast %xor3A_198 : vector<16xi32> to vector<16x1xi32>
    %gather3A_200 = vector.shape_cast %broadcast_in_dim3A_199 : vector<16x1xi32> to vector<16xi32>
    %gather3A_201 = tpu.dynamic_gather %add3A_195[%gather3A_200] in [0] : vector<16xf32>, vector<16xi32> -> vector<16xf32>
    %add3A_202 = arith.addf %add3A_195, %gather3A_201 : vector<16xf32>
    %xor3A_203 = arith.constant 1 : i32
    %xor3A_204 = vector.broadcast %xor3A_203 : i32 to vector<16xi32>
    %xor3A_205 = arith.xori %iota3A, %xor3A_204 : vector<16xi32>
    %broadcast_in_dim3A_206 = vector.shape_cast %xor3A_205 : vector<16xi32> to vector<16x1xi32>
    %gather3A_207 = vector.shape_cast %broadcast_in_dim3A_206 : vector<16x1xi32> to vector<16xi32>
    %gather3A_208 = tpu.dynamic_gather %add3A_202[%gather3A_207] in [0] : vector<16xf32>, vector<16xi32> -> vector<16xf32>
    %add3A_209 = arith.addf %add3A_202, %gather3A_208 : vector<16xf32>
    %select_n3A_210 = arith.select %eq3A_181, %add3A_209, %select_n3A_178 : vector<16xi1>, vector<16xf32>
    %eq3A_211 = arith.constant 6 : i32
    %eq3A_212 = vector.broadcast %eq3A_211 : i32 to vector<16xi32>
    %eq3A_213 = arith.cmpi eq, %iota3A, %eq3A_212 : vector<16xi32>
    %xor3A_214 = arith.constant 8 : i32
    %xor3A_215 = vector.broadcast %xor3A_214 : i32 to vector<16xi32>
    %xor3A_216 = arith.xori %iota3A, %xor3A_215 : vector<16xi32>
    %broadcast_in_dim3A_217 = vector.shape_cast %xor3A_216 : vector<16xi32> to vector<16x1xi32>
    %gather3A_218 = vector.shape_cast %broadcast_in_dim3A_217 : vector<16x1xi32> to vector<16xi32>
    %gather3A_219 = tpu.dynamic_gather %scan3A_19#6[%gather3A_218] in [0] : vector<16xf32>, vector<16xi32> -> vector<16xf32>
    %add3A_220 = arith.addf %scan3A_19#6, %gather3A_219 : vector<16xf32>
    %xor3A_221 = arith.constant 4 : i32
    %xor3A_222 = vector.broadcast %xor3A_221 : i32 to vector<16xi32>
    %xor3A_223 = arith.xori %iota3A, %xor3A_222 : vector<16xi32>
    %broadcast_in_dim3A_224 = vector.shape_cast %xor3A_223 : vector<16xi32> to vector<16x1xi32>
    %gather3A_225 = vector.shape_cast %broadcast_in_dim3A_224 : vector<16x1xi32> to vector<16xi32>
    %gather3A_226 = tpu.dynamic_gather %add3A_220[%gather3A_225] in [0] : vector<16xf32>, vector<16xi32> -> vector<16xf32>
    %add3A_227 = arith.addf %add3A_220, %gather3A_226 : vector<16xf32>
    %xor3A_228 = arith.constant 2 : i32
    %xor3A_229 = vector.broadcast %xor3A_228 : i32 to vector<16xi32>
    %xor3A_230 = arith.xori %iota3A, %xor3A_229 : vector<16xi32>
    %broadcast_in_dim3A_231 = vector.shape_cast %xor3A_230 : vector<16xi32> to vector<16x1xi32>
    %gather3A_232 = vector.shape_cast %broadcast_in_dim3A_231 : vector<16x1xi32> to vector<16xi32>
    %gather3A_233 = tpu.dynamic_gather %add3A_227[%gather3A_232] in [0] : vector<16xf32>, vector<16xi32> -> vector<16xf32>
    %add3A_234 = arith.addf %add3A_227, %gather3A_233 : vector<16xf32>
    %xor3A_235 = arith.constant 1 : i32
    %xor3A_236 = vector.broadcast %xor3A_235 : i32 to vector<16xi32>
    %xor3A_237 = arith.xori %iota3A, %xor3A_236 : vector<16xi32>
    %broadcast_in_dim3A_238 = vector.shape_cast %xor3A_237 : vector<16xi32> to vector<16x1xi32>
    %gather3A_239 = vector.shape_cast %broadcast_in_dim3A_238 : vector<16x1xi32> to vector<16xi32>
    %gather3A_240 = tpu.dynamic_gather %add3A_234[%gather3A_239] in [0] : vector<16xf32>, vector<16xi32> -> vector<16xf32>
    %add3A_241 = arith.addf %add3A_234, %gather3A_240 : vector<16xf32>
    %select_n3A_242 = arith.select %eq3A_213, %add3A_241, %select_n3A_210 : vector<16xi1>, vector<16xf32>
    %eq3A_243 = arith.constant 7 : i32
    %eq3A_244 = vector.broadcast %eq3A_243 : i32 to vector<16xi32>
    %eq3A_245 = arith.cmpi eq, %iota3A, %eq3A_244 : vector<16xi32>
    %xor3A_246 = arith.constant 8 : i32
    %xor3A_247 = vector.broadcast %xor3A_246 : i32 to vector<16xi32>
    %xor3A_248 = arith.xori %iota3A, %xor3A_247 : vector<16xi32>
    %broadcast_in_dim3A_249 = vector.shape_cast %xor3A_248 : vector<16xi32> to vector<16x1xi32>
    %gather3A_250 = vector.shape_cast %broadcast_in_dim3A_249 : vector<16x1xi32> to vector<16xi32>
    %gather3A_251 = tpu.dynamic_gather %scan3A_19#7[%gather3A_250] in [0] : vector<16xf32>, vector<16xi32> -> vector<16xf32>
    %add3A_252 = arith.addf %scan3A_19#7, %gather3A_251 : vector<16xf32>
    %xor3A_253 = arith.constant 4 : i32
    %xor3A_254 = vector.broadcast %xor3A_253 : i32 to vector<16xi32>
    %xor3A_255 = arith.xori %iota3A, %xor3A_254 : vector<16xi32>
    %broadcast_in_dim3A_256 = vector.shape_cast %xor3A_255 : vector<16xi32> to vector<16x1xi32>
    %gather3A_257 = vector.shape_cast %broadcast_in_dim3A_256 : vector<16x1xi32> to vector<16xi32>
    %gather3A_258 = tpu.dynamic_gather %add3A_252[%gather3A_257] in [0] : vector<16xf32>, vector<16xi32> -> vector<16xf32>
    %add3A_259 = arith.addf %add3A_252, %gather3A_258 : vector<16xf32>
    %xor3A_260 = arith.constant 2 : i32
    %xor3A_261 = vector.broadcast %xor3A_260 : i32 to vector<16xi32>
    %xor3A_262 = arith.xori %iota3A, %xor3A_261 : vector<16xi32>
    %broadcast_in_dim3A_263 = vector.shape_cast %xor3A_262 : vector<16xi32> to vector<16x1xi32>
    %gather3A_264 = vector.shape_cast %broadcast_in_dim3A_263 : vector<16x1xi32> to vector<16xi32>
    %gather3A_265 = tpu.dynamic_gather %add3A_259[%gather3A_264] in [0] : vector<16xf32>, vector<16xi32> -> vector<16xf32>
    %add3A_266 = arith.addf %add3A_259, %gather3A_265 : vector<16xf32>
    %xor3A_267 = arith.constant 1 : i32
    %xor3A_268 = vector.broadcast %xor3A_267 : i32 to vector<16xi32>
    %xor3A_269 = arith.xori %iota3A, %xor3A_268 : vector<16xi32>
    %broadcast_in_dim3A_270 = vector.shape_cast %xor3A_269 : vector<16xi32> to vector<16x1xi32>
    %gather3A_271 = vector.shape_cast %broadcast_in_dim3A_270 : vector<16x1xi32> to vector<16xi32>
    %gather3A_272 = tpu.dynamic_gather %add3A_266[%gather3A_271] in [0] : vector<16xf32>, vector<16xi32> -> vector<16xf32>
    %add3A_273 = arith.addf %add3A_266, %gather3A_272 : vector<16xf32>
    %select_n3A_274 = arith.select %eq3A_245, %add3A_273, %select_n3A_242 : vector<16xi1>, vector<16xf32>
    %xor3A_275 = arith.constant 8 : i32
    %xor3A_276 = vector.broadcast %xor3A_275 : i32 to vector<16xi32>
    %xor3A_277 = arith.xori %iota3A, %xor3A_276 : vector<16xi32>
    %broadcast_in_dim3A_278 = vector.shape_cast %xor3A_277 : vector<16xi32> to vector<16x1xi32>
    %gather3A_279 = vector.shape_cast %broadcast_in_dim3A_278 : vector<16x1xi32> to vector<16xi32>
    %gather3A_280 = tpu.dynamic_gather %select_n3A_274[%gather3A_279] in [0] : vector<16xf32>, vector<16xi32> -> vector<16xf32>
    %max3A = arith.maximumf %select_n3A_274, %gather3A_280 : vector<16xf32>
    %xor3A_281 = arith.constant 4 : i32
    %xor3A_282 = vector.broadcast %xor3A_281 : i32 to vector<16xi32>
    %xor3A_283 = arith.xori %iota3A, %xor3A_282 : vector<16xi32>
    %broadcast_in_dim3A_284 = vector.shape_cast %xor3A_283 : vector<16xi32> to vector<16x1xi32>
    %gather3A_285 = vector.shape_cast %broadcast_in_dim3A_284 : vector<16x1xi32> to vector<16xi32>
    %gather3A_286 = tpu.dynamic_gather %max3A[%gather3A_285] in [0] : vector<16xf32>, vector<16xi32> -> vector<16xf32>
    %max3A_287 = arith.maximumf %max3A, %gather3A_286 : vector<16xf32>
    %xor3A_288 = arith.constant 2 : i32
    %xor3A_289 = vector.broadcast %xor3A_288 : i32 to vector<16xi32>
    %xor3A_290 = arith.xori %iota3A, %xor3A_289 : vector<16xi32>
    %broadcast_in_dim3A_291 = vector.shape_cast %xor3A_290 : vector<16xi32> to vector<16x1xi32>
    %gather3A_292 = vector.shape_cast %broadcast_in_dim3A_291 : vector<16x1xi32> to vector<16xi32>
    %gather3A_293 = tpu.dynamic_gather %max3A_287[%gather3A_292] in [0] : vector<16xf32>, vector<16xi32> -> vector<16xf32>
    %max3A_294 = arith.maximumf %max3A_287, %gather3A_293 : vector<16xf32>
    %xor3A_295 = arith.constant 1 : i32
    %xor3A_296 = vector.broadcast %xor3A_295 : i32 to vector<16xi32>
    %xor3A_297 = arith.xori %iota3A, %xor3A_296 : vector<16xi32>
    %broadcast_in_dim3A_298 = vector.shape_cast %xor3A_297 : vector<16xi32> to vector<16x1xi32>
    %gather3A_299 = vector.shape_cast %broadcast_in_dim3A_298 : vector<16x1xi32> to vector<16xi32>
    %gather3A_300 = tpu.dynamic_gather %max3A_294[%gather3A_299] in [0] : vector<16xf32>, vector<16xi32> -> vector<16xf32>
    %max3A_301 = arith.maximumf %max3A_294, %gather3A_300 : vector<16xf32>
    %eq3A_302 = arith.cmpf oeq, %select_n3A_274, %max3A_301 : vector<16xf32>
    %jit3A = arith.constant 16 : i32
    %broadcast_in_dim3A_303 = vector.broadcast %jit3A : i32 to vector<16xi32>
    %select_n3A_304 = arith.select %eq3A_302, %iota3A, %broadcast_in_dim3A_303 : vector<16xi1>, vector<16xi32>
    %xor3A_305 = arith.constant 8 : i32
    %xor3A_306 = vector.broadcast %xor3A_305 : i32 to vector<16xi32>
    %xor3A_307 = arith.xori %iota3A, %xor3A_306 : vector<16xi32>
    %broadcast_in_dim3A_308 = vector.shape_cast %xor3A_307 : vector<16xi32> to vector<16x1xi32>
    %gather3A_309 = vector.shape_cast %broadcast_in_dim3A_308 : vector<16x1xi32> to vector<16xi32>
    %gather3A_310 = tpu.dynamic_gather %select_n3A_304[%gather3A_309] in [0] : vector<16xi32>, vector<16xi32> -> vector<16xi32>
    %min3A = arith.minsi %select_n3A_304, %gather3A_310 : vector<16xi32>
    %xor3A_311 = arith.constant 4 : i32
    %xor3A_312 = vector.broadcast %xor3A_311 : i32 to vector<16xi32>
    %xor3A_313 = arith.xori %iota3A, %xor3A_312 : vector<16xi32>
    %broadcast_in_dim3A_314 = vector.shape_cast %xor3A_313 : vector<16xi32> to vector<16x1xi32>
    %gather3A_315 = vector.shape_cast %broadcast_in_dim3A_314 : vector<16x1xi32> to vector<16xi32>
    %gather3A_316 = tpu.dynamic_gather %min3A[%gather3A_315] in [0] : vector<16xi32>, vector<16xi32> -> vector<16xi32>
    %min3A_317 = arith.minsi %min3A, %gather3A_316 : vector<16xi32>
    %xor3A_318 = arith.constant 2 : i32
    %xor3A_319 = vector.broadcast %xor3A_318 : i32 to vector<16xi32>
    %xor3A_320 = arith.xori %iota3A, %xor3A_319 : vector<16xi32>
    %broadcast_in_dim3A_321 = vector.shape_cast %xor3A_320 : vector<16xi32> to vector<16x1xi32>
    %gather3A_322 = vector.shape_cast %broadcast_in_dim3A_321 : vector<16x1xi32> to vector<16xi32>
    %gather3A_323 = tpu.dynamic_gather %min3A_317[%gather3A_322] in [0] : vector<16xi32>, vector<16xi32> -> vector<16xi32>
    %min3A_324 = arith.minsi %min3A_317, %gather3A_323 : vector<16xi32>
    %xor3A_325 = arith.constant 1 : i32
    %xor3A_326 = vector.broadcast %xor3A_325 : i32 to vector<16xi32>
    %xor3A_327 = arith.xori %iota3A, %xor3A_326 : vector<16xi32>
    %broadcast_in_dim3A_328 = vector.shape_cast %xor3A_327 : vector<16xi32> to vector<16x1xi32>
    %gather3A_329 = vector.shape_cast %broadcast_in_dim3A_328 : vector<16x1xi32> to vector<16xi32>
    %gather3A_330 = tpu.dynamic_gather %min3A_324[%gather3A_329] in [0] : vector<16xi32>, vector<16xi32> -> vector<16xi32>
    %min3A_331 = arith.minsi %min3A_324, %gather3A_330 : vector<16xi32>
    %eq3A_332 = arith.cmpi eq, %iota3A, %min3A_331 : vector<16xi32>
    %jit3A_333 = arith.constant -1.000000e+30 : f32
    %broadcast_in_dim3A_334 = vector.broadcast %jit3A_333 : f32 to vector<16xf32>
    %select_n3A_335 = arith.select %eq3A_332, %broadcast_in_dim3A_334, %select_n3A_274 : vector<16xi1>, vector<16xf32>
    %xor3A_336 = arith.constant 8 : i32
    %xor3A_337 = vector.broadcast %xor3A_336 : i32 to vector<16xi32>
    %xor3A_338 = arith.xori %iota3A, %xor3A_337 : vector<16xi32>
    %broadcast_in_dim3A_339 = vector.shape_cast %xor3A_338 : vector<16xi32> to vector<16x1xi32>
    %gather3A_340 = vector.shape_cast %broadcast_in_dim3A_339 : vector<16x1xi32> to vector<16xi32>
    %gather3A_341 = tpu.dynamic_gather %select_n3A_335[%gather3A_340] in [0] : vector<16xf32>, vector<16xi32> -> vector<16xf32>
    %max3A_342 = arith.maximumf %select_n3A_335, %gather3A_341 : vector<16xf32>
    %xor3A_343 = arith.constant 4 : i32
    %xor3A_344 = vector.broadcast %xor3A_343 : i32 to vector<16xi32>
    %xor3A_345 = arith.xori %iota3A, %xor3A_344 : vector<16xi32>
    %broadcast_in_dim3A_346 = vector.shape_cast %xor3A_345 : vector<16xi32> to vector<16x1xi32>
    %gather3A_347 = vector.shape_cast %broadcast_in_dim3A_346 : vector<16x1xi32> to vector<16xi32>
    %gather3A_348 = tpu.dynamic_gather %max3A_342[%gather3A_347] in [0] : vector<16xf32>, vector<16xi32> -> vector<16xf32>
    %max3A_349 = arith.maximumf %max3A_342, %gather3A_348 : vector<16xf32>
    %xor3A_350 = arith.constant 2 : i32
    %xor3A_351 = vector.broadcast %xor3A_350 : i32 to vector<16xi32>
    %xor3A_352 = arith.xori %iota3A, %xor3A_351 : vector<16xi32>
    %broadcast_in_dim3A_353 = vector.shape_cast %xor3A_352 : vector<16xi32> to vector<16x1xi32>
    %gather3A_354 = vector.shape_cast %broadcast_in_dim3A_353 : vector<16x1xi32> to vector<16xi32>
    %gather3A_355 = tpu.dynamic_gather %max3A_349[%gather3A_354] in [0] : vector<16xf32>, vector<16xi32> -> vector<16xf32>
    %max3A_356 = arith.maximumf %max3A_349, %gather3A_355 : vector<16xf32>
    %xor3A_357 = arith.constant 1 : i32
    %xor3A_358 = vector.broadcast %xor3A_357 : i32 to vector<16xi32>
    %xor3A_359 = arith.xori %iota3A, %xor3A_358 : vector<16xi32>
    %broadcast_in_dim3A_360 = vector.shape_cast %xor3A_359 : vector<16xi32> to vector<16x1xi32>
    %gather3A_361 = vector.shape_cast %broadcast_in_dim3A_360 : vector<16x1xi32> to vector<16xi32>
    %gather3A_362 = tpu.dynamic_gather %max3A_356[%gather3A_361] in [0] : vector<16xf32>, vector<16xi32> -> vector<16xf32>
    %max3A_363 = arith.maximumf %max3A_356, %gather3A_362 : vector<16xf32>
    %eq3A_364 = arith.cmpf oeq, %select_n3A_335, %max3A_363 : vector<16xf32>
    %jit3A_365 = arith.constant 16 : i32
    %broadcast_in_dim3A_366 = vector.broadcast %jit3A_365 : i32 to vector<16xi32>
    %select_n3A_367 = arith.select %eq3A_364, %iota3A, %broadcast_in_dim3A_366 : vector<16xi1>, vector<16xi32>
    %xor3A_368 = arith.constant 8 : i32
    %xor3A_369 = vector.broadcast %xor3A_368 : i32 to vector<16xi32>
    %xor3A_370 = arith.xori %iota3A, %xor3A_369 : vector<16xi32>
    %broadcast_in_dim3A_371 = vector.shape_cast %xor3A_370 : vector<16xi32> to vector<16x1xi32>
    %gather3A_372 = vector.shape_cast %broadcast_in_dim3A_371 : vector<16x1xi32> to vector<16xi32>
    %gather3A_373 = tpu.dynamic_gather %select_n3A_367[%gather3A_372] in [0] : vector<16xi32>, vector<16xi32> -> vector<16xi32>
    %min3A_374 = arith.minsi %select_n3A_367, %gather3A_373 : vector<16xi32>
    %xor3A_375 = arith.constant 4 : i32
    %xor3A_376 = vector.broadcast %xor3A_375 : i32 to vector<16xi32>
    %xor3A_377 = arith.xori %iota3A, %xor3A_376 : vector<16xi32>
    %broadcast_in_dim3A_378 = vector.shape_cast %xor3A_377 : vector<16xi32> to vector<16x1xi32>
    %gather3A_379 = vector.shape_cast %broadcast_in_dim3A_378 : vector<16x1xi32> to vector<16xi32>
    %gather3A_380 = tpu.dynamic_gather %min3A_374[%gather3A_379] in [0] : vector<16xi32>, vector<16xi32> -> vector<16xi32>
    %min3A_381 = arith.minsi %min3A_374, %gather3A_380 : vector<16xi32>
    %xor3A_382 = arith.constant 2 : i32
    %xor3A_383 = vector.broadcast %xor3A_382 : i32 to vector<16xi32>
    %xor3A_384 = arith.xori %iota3A, %xor3A_383 : vector<16xi32>
    %broadcast_in_dim3A_385 = vector.shape_cast %xor3A_384 : vector<16xi32> to vector<16x1xi32>
    %gather3A_386 = vector.shape_cast %broadcast_in_dim3A_385 : vector<16x1xi32> to vector<16xi32>
    %gather3A_387 = tpu.dynamic_gather %min3A_381[%gather3A_386] in [0] : vector<16xi32>, vector<16xi32> -> vector<16xi32>
    %min3A_388 = arith.minsi %min3A_381, %gather3A_387 : vector<16xi32>
    %xor3A_389 = arith.constant 1 : i32
    %xor3A_390 = vector.broadcast %xor3A_389 : i32 to vector<16xi32>
    %xor3A_391 = arith.xori %iota3A, %xor3A_390 : vector<16xi32>
    %broadcast_in_dim3A_392 = vector.shape_cast %xor3A_391 : vector<16xi32> to vector<16x1xi32>
    %gather3A_393 = vector.shape_cast %broadcast_in_dim3A_392 : vector<16x1xi32> to vector<16xi32>
    %gather3A_394 = tpu.dynamic_gather %min3A_388[%gather3A_393] in [0] : vector<16xi32>, vector<16xi32> -> vector<16xi32>
    %min3A_395 = arith.minsi %min3A_388, %gather3A_394 : vector<16xi32>
    %sub3A = arith.subf %max3A_363, %max3A_301 : vector<16xf32>
    %exp3A = math.exp %sub3A : vector<16xf32>
    %add3A_396 = arith.constant 1.000000e+00 : f32
    %add3A_397 = vector.broadcast %add3A_396 : f32 to vector<16xf32>
    %add3A_398 = arith.addf %add3A_397, %exp3A : vector<16xf32>
    %div3A = arith.constant 1.000000e+00 : f32
    %div3A_399 = vector.broadcast %div3A : f32 to vector<16xf32>
    %div3A_400 = arith.divf %div3A_399, %add3A_398 : vector<16xf32>
    %sub3A_401 = arith.constant 1.000000e+00 : f32
    %sub3A_402 = vector.broadcast %sub3A_401 : f32 to vector<16xf32>
    %sub3A_403 = arith.subf %sub3A_402, %div3A_400 : vector<16xf32>
    %eq3A_404 = arith.cmpi eq, %iota3A, %min3A_331 : vector<16xi32>
    %jit3A_405 = arith.constant 0.000000e+00 : f32
    %broadcast_in_dim3A_406 = vector.broadcast %jit3A_405 : f32 to vector<16xf32>
    %select_n3A_407 = arith.select %eq3A_404, %div3A_400, %broadcast_in_dim3A_406 : vector<16xi1>, vector<16xf32>
    %eq3A_408 = arith.cmpi eq, %iota3A, %min3A_395 : vector<16xi32>
    %jit3A_409 = arith.constant 0.000000e+00 : f32
    %broadcast_in_dim3A_410 = vector.broadcast %jit3A_409 : f32 to vector<16xf32>
    %select_n3A_411 = arith.select %eq3A_408, %sub3A_403, %broadcast_in_dim3A_410 : vector<16xi1>, vector<16xf32>
    %add3A_412 = arith.addf %select_n3A_407, %select_n3A_411 : vector<16xf32>
    %swap3A = arith.constant 0 : index
    %swap3A_413 = tpu.vector_load %arg7[%swap3A] {strides = array<i32>} : memref<16xf32, #tpu.memory_space<vmem>>, vector<16xf32>,
    %swap3A_414 = vector.shape_cast %swap3A_413 : vector<16xf32> to vector<16xf32>
    %swap3A_415 = vector.shape_cast %add3A_412 : vector<16xf32> to vector<16xf32>
    tpu.vector_store %arg7[%swap3A], %swap3A_415 {strides = array<i32>} : memref<16xf32, #tpu.memory_space<vmem>>, vector<16xf32>,
    "tpu.region"() ({
      %run_scoped3A = tpu.sem_alloc : memref<!tpu.dma_semaphore, #tpu.memory_space<semaphore_mem>>
      %dma_start3A = arith.constant 0 : i32
      %dma_start3A_416 = tpu.memref_slice %arg4[%add3A, %dma_start3A] : memref<32x16xf32, #tpu.memory_space<hbm>> -> memref<1x16xf32, #tpu.memory_space<hbm>>
      %dma_start3A_417 = tpu.memref_squeeze %dma_start3A_416 : memref<1x16xf32, #tpu.memory_space<hbm>> -> memref<16xf32, #tpu.memory_space<hbm>>
      %dma_start3A_418 = arith.constant 0 : i32
      %dma_start3A_419 = tpu.memref_slice %arg4[%add3A, %dma_start3A_418] : memref<32x16xf32, #tpu.memory_space<hbm>> -> memref<1x16xf32, #tpu.memory_space<hbm>>
      %dma_start3A_420 = tpu.memref_squeeze %dma_start3A_419 : memref<1x16xf32, #tpu.memory_space<hbm>> -> memref<16xf32, #tpu.memory_space<hbm>>
      tpu.enqueue_dma source(%arg7 : memref<16xf32, #tpu.memory_space<vmem>>) target(%dma_start3A_420 : memref<16xf32, #tpu.memory_space<hbm>>) target_semaphore(%run_scoped3A : memref<!tpu.dma_semaphore, #tpu.memory_space<semaphore_mem>>)
      %dma_wait3A = arith.constant 0 : i32
      %dma_wait3A_421 = tpu.memref_slice %arg4[%add3A, %dma_wait3A] : memref<32x16xf32, #tpu.memory_space<hbm>> -> memref<1x16xf32, #tpu.memory_space<hbm>>
      %dma_wait3A_422 = tpu.memref_squeeze %dma_wait3A_421 : memref<1x16xf32, #tpu.memory_space<hbm>> -> memref<16xf32, #tpu.memory_space<hbm>>
      %dma_wait3A_423 = arith.constant 0 : i32
      %dma_wait3A_424 = tpu.memref_slice %arg4[%add3A, %dma_wait3A_423] : memref<32x16xf32, #tpu.memory_space<hbm>> -> memref<1x16xf32, #tpu.memory_space<hbm>>
      %dma_wait3A_425 = tpu.memref_squeeze %dma_wait3A_424 : memref<1x16xf32, #tpu.memory_space<hbm>> -> memref<16xf32, #tpu.memory_space<hbm>>
      tpu.wait_dma2 semaphore(%run_scoped3A : memref<!tpu.dma_semaphore, #tpu.memory_space<semaphore_mem>>) src(%arg7 : memref<16xf32, #tpu.memory_space<vmem>>) dst(%dma_wait3A_425 : memref<16xf32, #tpu.memory_space<hbm>>)
      tpu.yield
    }) : () -> ()
    return
  }
}

module attributes {stable_mosaic.version = 14 : i64} {
  func.func @_combine_kernel(%arg0: memref<32x16xf32, #tpu.memory_space<vmem>>, %arg1: memref<8x32x2048xf32, #tpu.memory_space<vmem>>, %arg2: memref<32x2048xf32, #tpu.memory_space<vmem>>) attributes {dimension_semantics = [], scalar_prefetch = 0 : i64, scratch_operands = 0 : i64, tpu.core_type = #tpu.core_type<tc>} {
    %get3A = arith.constant 0 : index
    %get3A_0 = arith.constant 0 : index
    %get3A_1 = vector.load %arg0[%get3A, %get3A_0] : memref<32x16xf32, #tpu.memory_space<vmem>>, vector<32x16xf32>
    %slice3A = vector.extract_strided_slice %get3A_1 {offsets = [0, 0], sizes = [32, 1], strides = [1, 1]} : vector<32x16xf32> to vector<32x1xf32>
    %get3A_2 = arith.constant 0 : index
    %get3A_3 = arith.constant 0 : index
    %get3A_4 = arith.constant 0 : index
    %get3A_5 = vector.load %arg1[%get3A_2, %get3A_3, %get3A_4] : memref<8x32x2048xf32, #tpu.memory_space<vmem>>, vector<1x32x2048xf32>
    %get3A_6 = vector.shape_cast %get3A_5 : vector<1x32x2048xf32> to vector<32x2048xf32>
    %mul3A = vector.broadcast %slice3A : vector<32x1xf32> to vector<32x2048xf32>
    %mul3A_7 = arith.mulf %mul3A, %get3A_6 : vector<32x2048xf32>
    %slice3A_8 = vector.extract_strided_slice %get3A_1 {offsets = [0, 1], sizes = [32, 1], strides = [1, 1]} : vector<32x16xf32> to vector<32x1xf32>
    %get3A_9 = arith.constant 1 : index
    %get3A_10 = arith.constant 0 : index
    %get3A_11 = arith.constant 0 : index
    %get3A_12 = vector.load %arg1[%get3A_9, %get3A_10, %get3A_11] : memref<8x32x2048xf32, #tpu.memory_space<vmem>>, vector<1x32x2048xf32>
    %get3A_13 = vector.shape_cast %get3A_12 : vector<1x32x2048xf32> to vector<32x2048xf32>
    %mul3A_14 = vector.broadcast %slice3A_8 : vector<32x1xf32> to vector<32x2048xf32>
    %mul3A_15 = arith.mulf %mul3A_14, %get3A_13 : vector<32x2048xf32>
    %add3A = arith.addf %mul3A_7, %mul3A_15 : vector<32x2048xf32>
    %slice3A_16 = vector.extract_strided_slice %get3A_1 {offsets = [0, 2], sizes = [32, 1], strides = [1, 1]} : vector<32x16xf32> to vector<32x1xf32>
    %get3A_17 = arith.constant 2 : index
    %get3A_18 = arith.constant 0 : index
    %get3A_19 = arith.constant 0 : index
    %get3A_20 = vector.load %arg1[%get3A_17, %get3A_18, %get3A_19] : memref<8x32x2048xf32, #tpu.memory_space<vmem>>, vector<1x32x2048xf32>
    %get3A_21 = vector.shape_cast %get3A_20 : vector<1x32x2048xf32> to vector<32x2048xf32>
    %mul3A_22 = vector.broadcast %slice3A_16 : vector<32x1xf32> to vector<32x2048xf32>
    %mul3A_23 = arith.mulf %mul3A_22, %get3A_21 : vector<32x2048xf32>
    %add3A_24 = arith.addf %add3A, %mul3A_23 : vector<32x2048xf32>
    %slice3A_25 = vector.extract_strided_slice %get3A_1 {offsets = [0, 3], sizes = [32, 1], strides = [1, 1]} : vector<32x16xf32> to vector<32x1xf32>
    %get3A_26 = arith.constant 3 : index
    %get3A_27 = arith.constant 0 : index
    %get3A_28 = arith.constant 0 : index
    %get3A_29 = vector.load %arg1[%get3A_26, %get3A_27, %get3A_28] : memref<8x32x2048xf32, #tpu.memory_space<vmem>>, vector<1x32x2048xf32>
    %get3A_30 = vector.shape_cast %get3A_29 : vector<1x32x2048xf32> to vector<32x2048xf32>
    %mul3A_31 = vector.broadcast %slice3A_25 : vector<32x1xf32> to vector<32x2048xf32>
    %mul3A_32 = arith.mulf %mul3A_31, %get3A_30 : vector<32x2048xf32>
    %add3A_33 = arith.addf %add3A_24, %mul3A_32 : vector<32x2048xf32>
    %slice3A_34 = vector.extract_strided_slice %get3A_1 {offsets = [0, 4], sizes = [32, 1], strides = [1, 1]} : vector<32x16xf32> to vector<32x1xf32>
    %get3A_35 = arith.constant 4 : index
    %get3A_36 = arith.constant 0 : index
    %get3A_37 = arith.constant 0 : index
    %get3A_38 = vector.load %arg1[%get3A_35, %get3A_36, %get3A_37] : memref<8x32x2048xf32, #tpu.memory_space<vmem>>, vector<1x32x2048xf32>
    %get3A_39 = vector.shape_cast %get3A_38 : vector<1x32x2048xf32> to vector<32x2048xf32>
    %mul3A_40 = vector.broadcast %slice3A_34 : vector<32x1xf32> to vector<32x2048xf32>
    %mul3A_41 = arith.mulf %mul3A_40, %get3A_39 : vector<32x2048xf32>
    %add3A_42 = arith.addf %add3A_33, %mul3A_41 : vector<32x2048xf32>
    %slice3A_43 = vector.extract_strided_slice %get3A_1 {offsets = [0, 5], sizes = [32, 1], strides = [1, 1]} : vector<32x16xf32> to vector<32x1xf32>
    %get3A_44 = arith.constant 5 : index
    %get3A_45 = arith.constant 0 : index
    %get3A_46 = arith.constant 0 : index
    %get3A_47 = vector.load %arg1[%get3A_44, %get3A_45, %get3A_46] : memref<8x32x2048xf32, #tpu.memory_space<vmem>>, vector<1x32x2048xf32>
    %get3A_48 = vector.shape_cast %get3A_47 : vector<1x32x2048xf32> to vector<32x2048xf32>
    %mul3A_49 = vector.broadcast %slice3A_43 : vector<32x1xf32> to vector<32x2048xf32>
    %mul3A_50 = arith.mulf %mul3A_49, %get3A_48 : vector<32x2048xf32>
    %add3A_51 = arith.addf %add3A_42, %mul3A_50 : vector<32x2048xf32>
    %slice3A_52 = vector.extract_strided_slice %get3A_1 {offsets = [0, 6], sizes = [32, 1], strides = [1, 1]} : vector<32x16xf32> to vector<32x1xf32>
    %get3A_53 = arith.constant 6 : index
    %get3A_54 = arith.constant 0 : index
    %get3A_55 = arith.constant 0 : index
    %get3A_56 = vector.load %arg1[%get3A_53, %get3A_54, %get3A_55] : memref<8x32x2048xf32, #tpu.memory_space<vmem>>, vector<1x32x2048xf32>
    %get3A_57 = vector.shape_cast %get3A_56 : vector<1x32x2048xf32> to vector<32x2048xf32>
    %mul3A_58 = vector.broadcast %slice3A_52 : vector<32x1xf32> to vector<32x2048xf32>
    %mul3A_59 = arith.mulf %mul3A_58, %get3A_57 : vector<32x2048xf32>
    %add3A_60 = arith.addf %add3A_51, %mul3A_59 : vector<32x2048xf32>
    %slice3A_61 = vector.extract_strided_slice %get3A_1 {offsets = [0, 7], sizes = [32, 1], strides = [1, 1]} : vector<32x16xf32> to vector<32x1xf32>
    %get3A_62 = arith.constant 7 : index
    %get3A_63 = arith.constant 0 : index
    %get3A_64 = arith.constant 0 : index
    %get3A_65 = vector.load %arg1[%get3A_62, %get3A_63, %get3A_64] : memref<8x32x2048xf32, #tpu.memory_space<vmem>>, vector<1x32x2048xf32>
    %get3A_66 = vector.shape_cast %get3A_65 : vector<1x32x2048xf32> to vector<32x2048xf32>
    %mul3A_67 = vector.broadcast %slice3A_61 : vector<32x1xf32> to vector<32x2048xf32>
    %mul3A_68 = arith.mulf %mul3A_67, %get3A_66 : vector<32x2048xf32>
    %add3A_69 = arith.addf %add3A_60, %mul3A_68 : vector<32x2048xf32>
    %swap3A = arith.constant 0 : index
    %swap3A_70 = arith.constant 0 : index
    %swap3A_71 = vector.load %arg2[%swap3A, %swap3A_70] : memref<32x2048xf32, #tpu.memory_space<vmem>>, vector<32x2048xf32>
    tpu.vector_store %arg2[%swap3A, %swap3A_70], %add3A_69 {strides = array<i32>} : memref<32x2048xf32, #tpu.memory_space<vmem>>, vector<32x2048xf32>,
    return
  }
}

module attributes {stable_mosaic.version = 14 : i64} {
  func.func @_experts_kernel(%arg0: i32, %arg1: i32, %arg2: memref<32x2048xf32, #tpu.memory_space<vmem>>, %arg3: memref<1x2048x512xf32, #tpu.memory_space<vmem>>, %arg4: memref<1x2048x512xf32, #tpu.memory_space<vmem>>, %arg5: memref<1x512x2048xf32, #tpu.memory_space<vmem>>, %arg6: memref<1x32x2048xf32, #tpu.memory_space<vmem>>) attributes {dimension_semantics = [#tpu.dimension_semantics<arbitrary>, #tpu.dimension_semantics<arbitrary>], iteration_bounds = array<i64: 8, 8>, scalar_prefetch = 0 : i64, scratch_operands = 0 : i64, tpu.core_type = #tpu.core_type<tc>, window_params = [{pipeline_mode = #tpu.pipeline_mode<synchronous>, transform_indices = @transform_0, window_bounds = array<i64: 32, 2048>}, {transform_indices = @transform_1, window_bounds = array<i64: 1, 2048, 512>}, {transform_indices = @transform_2, window_bounds = array<i64: 1, 2048, 512>}, {transform_indices = @transform_3, window_bounds = array<i64: 1, 512, 2048>}, {transform_indices = @transform_4, window_bounds = array<i64: 1, 32, 2048>}]} {
    %get3A = arith.constant 0 : index
    %get3A_0 = arith.constant 0 : index
    %get3A_1 = vector.load %arg2[%get3A, %get3A_0] : memref<32x2048xf32, #tpu.memory_space<vmem>>, vector<32x2048xf32>
    %get3A_2 = arith.constant 0 : index
    %get3A_3 = arith.constant 0 : index
    %get3A_4 = arith.constant 0 : index
    %get3A_5 = vector.load %arg3[%get3A_2, %get3A_3, %get3A_4] : memref<1x2048x512xf32, #tpu.memory_space<vmem>>, vector<1x2048x512xf32>
    %get3A_6 = vector.shape_cast %get3A_5 : vector<1x2048x512xf32> to vector<2048x512xf32>
    %dot_general3A = arith.constant dense<0.000000e+00> : vector<32x512xf32>
    %dot_general3A_7 = tpu.matmul %get3A_1, %get3A_6, %dot_general3A {dimension_numbers = #tpu.dot_dimension_numbers<[1], [0], [0], [1], [0, 0, 1, 1], [], []>, transpose_lhs_hint = false} : vector<32x2048xf32>, vector<2048x512xf32>, vector<32x512xf32> -> vector<32x512xf32>
    %logistic3A = arith.negf %dot_general3A_7 : vector<32x512xf32>
    %logistic3A_8 = math.exp %logistic3A : vector<32x512xf32>
    %logistic3A_9 = arith.constant 1.000000e+00 : f32
    %logistic3A_10 = vector.broadcast %logistic3A_9 : f32 to vector<32x512xf32>
    %logistic3A_11 = arith.addf %logistic3A_10, %logistic3A_8 : vector<32x512xf32>
    %logistic3A_12 = arith.divf %logistic3A_10, %logistic3A_11 : vector<32x512xf32>
    %mul3A = arith.mulf %dot_general3A_7, %logistic3A_12 : vector<32x512xf32>
    %get3A_13 = arith.constant 0 : index
    %get3A_14 = arith.constant 0 : index
    %get3A_15 = arith.constant 0 : index
    %get3A_16 = vector.load %arg4[%get3A_13, %get3A_14, %get3A_15] : memref<1x2048x512xf32, #tpu.memory_space<vmem>>, vector<1x2048x512xf32>
    %get3A_17 = vector.shape_cast %get3A_16 : vector<1x2048x512xf32> to vector<2048x512xf32>
    %dot_general3A_18 = arith.constant dense<0.000000e+00> : vector<32x512xf32>
    %dot_general3A_19 = tpu.matmul %get3A_1, %get3A_17, %dot_general3A_18 {dimension_numbers = #tpu.dot_dimension_numbers<[1], [0], [0], [1], [0, 0, 1, 1], [], []>, transpose_lhs_hint = false} : vector<32x2048xf32>, vector<2048x512xf32>, vector<32x512xf32> -> vector<32x512xf32>
    %mul3A_20 = arith.mulf %mul3A, %dot_general3A_19 : vector<32x512xf32>
    %get3A_21 = arith.constant 0 : index
    %get3A_22 = arith.constant 0 : index
    %get3A_23 = arith.constant 0 : index
    %get3A_24 = vector.load %arg5[%get3A_21, %get3A_22, %get3A_23] : memref<1x512x2048xf32, #tpu.memory_space<vmem>>, vector<1x512x2048xf32>
    %get3A_25 = vector.shape_cast %get3A_24 : vector<1x512x2048xf32> to vector<512x2048xf32>
    %dot_general3A_26 = arith.constant dense<0.000000e+00> : vector<32x2048xf32>
    %dot_general3A_27 = tpu.matmul %mul3A_20, %get3A_25, %dot_general3A_26 {dimension_numbers = #tpu.dot_dimension_numbers<[1], [0], [0], [1], [0, 0, 1, 1], [], []>, transpose_lhs_hint = false} : vector<32x512xf32>, vector<512x2048xf32>, vector<32x2048xf32> -> vector<32x2048xf32>
    %eq3A = arith.constant 0 : i32
    %eq3A_28 = arith.cmpi eq, %arg1, %eq3A : i32
    %convert_element_type3A = arith.extui %eq3A_28 : i1 to i32
    %cond3A = arith.constant 0 : i32
    %cond3A_29 = arith.cmpi ne, %convert_element_type3A, %cond3A : i32
    scf.if %cond3A_29 {
      %swap3A = arith.constant 0 : index
      %swap3A_34 = arith.constant 0 : index
      %swap3A_35 = arith.constant 0 : index
      %swap3A_36 = vector.load %arg6[%swap3A, %swap3A_34, %swap3A_35] : memref<1x32x2048xf32, #tpu.memory_space<vmem>>, vector<1x32x2048xf32>
      %swap3A_37 = vector.shape_cast %swap3A_36 : vector<1x32x2048xf32> to vector<32x2048xf32>
      %swap3A_38 = vector.shape_cast %dot_general3A_27 : vector<32x2048xf32> to vector<1x32x2048xf32>
      tpu.vector_store %arg6[%swap3A, %swap3A_34, %swap3A_35], %swap3A_38 {strides = array<i32>} : memref<1x32x2048xf32, #tpu.memory_space<vmem>>, vector<1x32x2048xf32>,
    } else {
    }
    %ne3A = arith.constant 0 : i32
    %ne3A_30 = arith.cmpi ne, %arg1, %ne3A : i32
    %convert_element_type3A_31 = arith.extui %ne3A_30 : i1 to i32
    %cond3A_32 = arith.constant 0 : i32
    %cond3A_33 = arith.cmpi ne, %convert_element_type3A_31, %cond3A_32 : i32
    scf.if %cond3A_33 {
      %get3A_34 = arith.constant 0 : index
      %get3A_35 = arith.constant 0 : index
      %get3A_36 = arith.constant 0 : index
      %get3A_37 = vector.load %arg6[%get3A_34, %get3A_35, %get3A_36] : memref<1x32x2048xf32, #tpu.memory_space<vmem>>, vector<1x32x2048xf32>
      %get3A_38 = vector.shape_cast %get3A_37 : vector<1x32x2048xf32> to vector<32x2048xf32>
      %add3A = arith.addf %get3A_38, %dot_general3A_27 : vector<32x2048xf32>
      %swap3A = arith.constant 0 : index
      %swap3A_39 = arith.constant 0 : index
      %swap3A_40 = arith.constant 0 : index
      %swap3A_41 = vector.load %arg6[%swap3A, %swap3A_39, %swap3A_40] : memref<1x32x2048xf32, #tpu.memory_space<vmem>>, vector<1x32x2048xf32>
      %swap3A_42 = vector.shape_cast %swap3A_41 : vector<1x32x2048xf32> to vector<32x2048xf32>
      %swap3A_43 = vector.shape_cast %add3A : vector<32x2048xf32> to vector<1x32x2048xf32>
      tpu.vector_store %arg6[%swap3A, %swap3A_39, %swap3A_40], %swap3A_43 {strides = array<i32>} : memref<1x32x2048xf32, #tpu.memory_space<vmem>>, vector<1x32x2048xf32>,
    } else {
    }
    return
  }
  func.func @transform_0(%arg0: i32, %arg1: i32) -> (i32, i32) {
    %c0_i32 = arith.constant 0 : i32
    %c0_i32_0 = arith.constant 0 : i32
    %c0_i32_1 = arith.constant 0 : i32
    return %c0_i32, %c0_i32_0 : i32, i32
  }
  func.func @transform_1(%arg0: i32, %arg1: i32) -> (i32, i32, i32) {
    %c0_i32 = arith.constant 0 : i32
    %c0_i32_0 = arith.constant 0 : i32
    return %arg0, %c0_i32, %arg1 : i32, i32, i32
  }
  func.func @transform_2(%arg0: i32, %arg1: i32) -> (i32, i32, i32) {
    %c0_i32 = arith.constant 0 : i32
    %c0_i32_0 = arith.constant 0 : i32
    return %arg0, %c0_i32, %arg1 : i32, i32, i32
  }
  func.func @transform_3(%arg0: i32, %arg1: i32) -> (i32, i32, i32) {
    %c0_i32 = arith.constant 0 : i32
    %c0_i32_0 = arith.constant 0 : i32
    return %arg0, %arg1, %c0_i32 : i32, i32, i32
  }
  func.func @transform_4(%arg0: i32, %arg1: i32) -> (i32, i32, i32) {
    %c0_i32 = arith.constant 0 : i32
    %c0_i32_0 = arith.constant 0 : i32
    %c0_i32_1 = arith.constant 0 : i32
    return %arg0, %c0_i32, %c0_i32_0 : i32, i32, i32
  }
}

</mosaic_0001>

<sc_bundles>
// kernel: kernel.5.cloned.1.call-start
scs
__scs_entry_jumppad:
0x0: {  	(pc) =	sbr.rel $0x88, $3  }
0x1: {  	(tag) =	ssettag $0x0;
	lr =	simm.s32 $0x1  }
0x2: {  	[smem:$0x3F9C] =	sst lr;
	_ =	strace $0xD0000000  }
0x3: {  	_ = 	snop  }
0x4: {  	_ = 	snop  }
0x5: {  	_ = 	snop  }
0x6: {  	_ = 	snop  }
0x7: {  	_ = 	snop  }
__scs_overlays_trampoline_lowered:
0x8: {  	[smem:$0x3FAB] =	sst s0  }
0x9: {  	[smem:$0x3FAC] =	sst s1  }
0xa: {  	[smem:$0x3FAD] =	sst s2  }
0xb: {  	[smem:$0x3FAE] =	sst s3  }
0xc: {  	[smem:$0x3FAF] =	sst s4  }
0xd: {  	[smem:$0x3FB0] =	sst s5  }
0xe: {  	[smem:$0x3FB1] =	sst s6  }
0xf: {  	[smem:$0x3FB2] =	sst s7  }
0x10: {  	[smem:$0x3FB3] =	sst s8  }
0x11: {  	[smem:$0x3FB4] =	sst s9;
	s0 =	simm.s32 @!p0 $0x0  }
0x12: {  	s1 =	sld [smem:$0x3F9A];
	s0 =	simm.s32 @p0 $0x1  }
0x13: {  	[smem:$0x3FB5] =	sst s0;
	s0 =	simm.s32 @!p1 $0x0  }
0x14: {  	s2 =	sld [smem:$0x3F99];
	s0 =	simm.s32 @p1 $0x1  }
0x15: {  	[smem:$0x3FB6] =	sst s0;
	s0 =	simm.s32 @!p2 $0x0  }
0x16: {  	s3 =	sld [smem:$0x3FDB];
	s0 =	simm.s32 @p2 $0x1  }
0x17: {  	s4 =	simm.s32 $0x1BF5;
	[smem:$0x3FB8] =	sst s0  }
0x18: {  	s0 =	sld [smem:$0x3F9B];
	_ =	swait.ge [sflag:s4], $0x0  }
0x19: {  	s7 =	sld [smem:$0x3F9C]  }
0x1a: {  	s8 =	sadd.s32 $0xFFFFE003, lr  }
0x1b: {  	s9 =	sadd.s32 $0xFFFFFEF7, lr;
	s5 =	simm.s32 $0xFFFFFFFF;
	p2 =	slt.u32 s8, $0xFFFFF086  }
0x1c: {  	p1 =	slt.u32 s9, $0xF7A;
	s5 =	simm.s32 @!p2 $0x0  }
0x1d: {  	s5 =	simm.s32 @p1 $0x1;
	p0 =	seq.s32 s7, s2  }
0x1e: {  	s7 =	smul.u32 @!p0 $0xF7A, s2;
	p2 =	seq.s32 @!p0 s5, $0x0  }
0x1f: {  	s9 =	smul.u32 $0xF7A, s1;
	s8 =	simm.s32 @!p0 $0x1BF5;
	p2 =	por !p2, p0  }
0x20: {  	[sflag:s8] =	ssyncset.s32 @!p0 $0xFFFFF086;
	s6 =	sadd.s32 @!p0 s3, s7;
	s7 =	simm.s32 @!p0 $0x108  }
0x21: {  	s3 =	sadd.s32 s3, s9;
	s6 =	sadd.s32 @!p0 $0x88, s6;
	s7 =	simm.s32 @p2 $0x1082  }
0x22: {  	[simem:s7], [sflag:s8] =	dma.local @!p0 [hbm:s6], $0xF7A  }
0x23: {  	s9 =	sor.u32 $0xD0000000, s2;
	s6 =	simm.s32 $0x108;
	_ =	swait.ge @!p0 [sflag:s8], $0x0  }
0x24: {  	s3 =	sadd.s32 $0x88, s3;
	s6 =	simm.s32 @!p1 $0x1082;
	[sflag:s4] =	ssyncset.s32 $0xFFFFF086  }
0x25: {  	[simem:s6], [sflag:s4] =	dma.local [hbm:s3], $0xF7A  }
0x26: {  	[smem:$0x3F9C] =	sst s1;
	(tag) =	ssettag s2;
	_ =	strace s9  }
0x27: {  	s1 =	sld [smem:$0x3FAC]  }
0x28: {  	s2 =	sld [smem:$0x3FAD]  }
0x29: {  	s4 =	sld [smem:$0x3FAF]  }
0x2a: {  	p0 =	seq.s32 s5, $0x0;
	s5 =	sld [smem:$0x3FB0]  }
0x2b: {  	s6 =	sld [smem:$0x3FB1]  }
0x2c: {  	s7 =	sld [smem:$0x3FB2]  }
0x2d: {  	s3 =	simm.s32 $0x108;
	s8 =	sld [smem:$0x3FB3]  }
0x2e: {  	s3 =	simm.s32 @!p0 $0x1082;
	s9 =	sld [smem:$0x3FB4]  }
0x2f: {  	lr =	sadd.s32 s0, s3;
	s0 =	sld [smem:$0x3FAB]  }
0x30: {  	s3 =	sld [smem:$0x3FAE]  }
0x31: {  	[smem:$0x3FB7] =	sst s10  }
0x32: {  	s10 =	sld [smem:$0x3FB5];
	_ =	sdelay $0x3  }
0x33: {  	p0 =	seq.s32 s10, $0x1;
	s10 =	sld [smem:$0x3FB7];
	_ =	sdelay $0x3  }
0x34: {  	[smem:$0x3FB7] =	sst s10  }
0x35: {  	s10 =	sld [smem:$0x3FB6];
	_ =	sdelay $0x3  }
0x36: {  	p1 =	seq.s32 s10, $0x1;
	s10 =	sld [smem:$0x3FB7];
	_ =	sdelay $0x3  }
0x37: {  	[smem:$0x3FB7] =	sst s10  }
0x38: {  	s10 =	sld [smem:$0x3FB8]  }
0x39: {  	_ = 	snop;
	(pc) =	sbr.ind lr, $3  }
0x3a: {  	_ = 	snop  }
0x3b: {  	_ = 	snop  }
0x3c: {  	p2 =	seq.s32 s10, $0x1;
	s10 =	sld [smem:$0x3FB7]  }
0x3d: {  	_ =	shalt  }
0x3e: {  	_ =	shalt  }
0x3f: {  	_ =	shalt  }
0x40: {  	_ =	shalt  }
0x41: {  	_ =	shalt  }
0x42: {  	_ =	shalt  }
0x43: {  	_ =	shalt  }
0x44: {  	_ =	shalt  }
0x45: {  	_ =	shalt  }
0x46: {  	_ =	shalt  }
0x47: {  	_ =	shalt  }
0x48: {  	_ =	shalt  }
0x49: {  	_ =	shalt  }
0x4a: {  	_ =	shalt  }
0x4b: {  	_ =	shalt  }
0x4c: {  	_ =	shalt  }
0x4d: {  	_ =	shalt  }
0x4e: {  	_ =	shalt  }
0x4f: {  	_ =	shalt  }
0x50: {  	_ =	shalt  }
0x51: {  	_ =	shalt  }
0x52: {  	_ =	shalt  }
0x53: {  	_ =	shalt  }
0x54: {  	_ =	shalt  }
0x55: {  	_ =	shalt  }
0x56: {  	_ =	shalt  }
0x57: {  	_ =	shalt  }
0x58: {  	_ =	shalt  }
0x59: {  	_ =	shalt  }
0x5a: {  	_ =	shalt  }
0x5b: {  	_ =	shalt  }
0x5c: {  	_ =	shalt  }
0x5d: {  	_ =	shalt  }
0x5e: {  	_ =	shalt  }
0x5f: {  	_ =	shalt  }
0x60: {  	_ =	shalt  }
0x61: {  	_ =	shalt  }
0x62: {  	_ =	shalt  }
0x63: {  	_ =	shalt  }
0x64: {  	_ =	shalt  }
0x65: {  	_ =	shalt  }
0x66: {  	_ =	shalt  }
0x67: {  	_ =	shalt  }
0x68: {  	_ =	shalt  }
0x69: {  	_ =	shalt  }
0x6a: {  	_ =	shalt  }
0x6b: {  	_ =	shalt  }
0x6c: {  	_ =	shalt  }
0x6d: {  	_ =	shalt  }
0x6e: {  	_ =	shalt  }
0x6f: {  	_ =	shalt  }
0x70: {  	_ =	shalt  }
0x71: {  	_ =	shalt  }
0x72: {  	_ =	shalt  }
0x73: {  	_ =	shalt  }
0x74: {  	_ =	shalt  }
0x75: {  	_ =	shalt  }
0x76: {  	_ =	shalt  }
0x77: {  	_ =	shalt  }
0x78: {  	_ =	shalt  }
0x79: {  	_ =	shalt  }
0x7a: {  	_ =	shalt  }
0x7b: {  	_ =	shalt  }
0x7c: {  	_ =	shalt  }
0x7d: {  	_ =	shalt  }
0x7e: {  	_ =	shalt  }
0x7f: {  	_ =	shalt  }
0x80: {  	_ =	shalt  }
0x81: {  	_ =	shalt  }
0x82: {  	_ =	shalt  }
0x83: {  	_ =	shalt  }
0x84: {  	_ =	shalt  }
0x85: {  	_ =	shalt  }
0x86: {  	_ =	shalt  }
0x87: {  	_ =	shalt  }
.Lfunc_end0:
.L_simem_size_0:
called_computation_lowered:
.L_overlay_start_0:
0x88: {  	s2 =	sld [smem:$0x3FD9]  }
0x89: {  	s3 =	sld [smem:$0x3FFE];
	_ =	sdelay $0x1  }
0x8a: {  	s1 =	srdreg.scid  }
0x8b: {  	s0 =	sand.u32 $0x1, s1  }
0x8c: {  	s18 =	sshll.u32 s0, $0xA;
	s2 =	sadd.s32 s3, s2  }
0x8d: {  	s2 =	sadd.s32 s2, s18  }
0x8e: {  	[smem:$0x3FC3] =	sst s2  }
0x8f: {  	_ = 	snop  }
0x90: {  	s2 =	sld [smem:$0x3FC9]  }
0x91: {  	s19 =	sld [smem:$0x3FC8]  }
0x92: {  	s4 =	sld [smem:$0x3FD0];
	(tm) =	ssettm $0x1  }
0x93: {  	s5 =	sld [smem:$0x3FFB];
	_ =	sdelay $0x3  }
0x94: {  	_ =	strace s5  }
0x95: {  	s5 =	sld [smem:$0x3FFC];
	_ =	sdelay $0x3  }
0x96: {  	_ =	strace s5  }
0x97: {  	s5 =	sld [smem:$0x3FFD];
	_ =	sdelay $0x3  }
0x98: {  	_ =	strace s5  }
0x99: {  	_ =	strace $0x8FFFFFFF  }
0x9a: {  	s20 =	sld [smem:$0x3FDB];
	_ =	sdelay $0x1  }
0x9b: {  	s6 =	simm.s32 $_scs_section_size  }
0x9c: {  	s7 =	simm.s32 $_size__tile_overlayer_lowered;
	s8 =	simm.s32 $_tile_overlayer_lowered  }
0x9d: {  	s23 =	simm.s32 $0x1BFF;
	s22 =	sshll.u32 s8, $0x1;
	s5 =	sadd.s32 s6, s20  }
0x9e: {  	s9 =	simm.s32 $0x0;
	s21 =	sshll.u32 s7, $0x1;
	s7 =	sadd.s32 s22, s5  }
0x9f: {  	[timem:s9], [sflag:s23] =	dma.local [hbm:s7], s21  }
0xa0: {  	_ =	swait.ge [sflag:s23], s21  }
0xa1: {  	s6 =	ssub.s32 $0x0, s21;
	[sflag:s23] =	ssyncset.done $0x0  }
0xa2: {  	[sflag:s23] =	ssyncadd.s32 s6;
	_ =	sdelay $0x1  }
0xa3: {  	s24 =	simm.s32 $0x1B8B  }
0xa4: {  	_ =	swait.ge [sflag:s24], $0x1  }
0xa5: {  	[sflag:s24] =	ssyncset.done $0x0  }
0xa6: {  	s25 =	simm.s32 $0x1B8E;
	[sflag:s24] =	ssyncadd.s32 $0xFFFFFFFF  }
0xa7: {  	s26 =	simm.s32 $execute0_lowered;
	[smem:$0x3FD2] =	sst s25  }
0xa8: {  	s6 =	sshll.u32 s26, $0x1;
	_ =	strace $0x80000046;
	[dreg:$0x1] =	wrdreg $0xFFFFFFFF  }
0xa9: {  	s28 =	simm.s32 $_size_execute0_lowered;
	s5 =	sadd.s32 s5, s6;
	[dreg:$0x0] =	wrdreg $0x0  }
0xaa: {  	s6 =	sshll.u32 s28, $0x1;
	[dreg:$0x2] =	wrdreg s5  }
0xab: {  	[dreg:$0x3] =	wrdreg s6  }
0xac: {  	[dreg:$0x4] =	wrdreg $0xC0  }
0xad: {  	_ =	task [dreg:s9], $0x5FFFF  }
0xae: {  	[dreg:$0x1] =	wrdreg $0xFFFFFFFF  }
0xaf: {  	[dreg:$0x0] =	wrdreg $0x60  }
0xb0: {  	[dreg:$0x2] =	wrdreg s2  }
0xb1: {  	[dreg:$0x3] =	wrdreg s19  }
0xb2: {  	[dreg:$0x4] =	wrdreg s4  }
0xb3: {  	[dreg:$0x5] =	wrdreg $0x9  }
0xb4: {  	_ =	task.clear_ibuf [dreg:s9], $0x6FFFF;
	_ =	strace $0x90000046  }
0xb5: {  	s29 =	simm.s32 $0x9;
	_ =	strace $0x80000048  }
0xb6: {  	_ =	swait.ge [sflag:s29], $0x1  }
0xb7: {  	[sflag:s29] =	ssyncadd.s32 $0xFFFFFFFF  }
0xb8: {  	_ =	strace $0x90000048  }
0xb9: {  	_ =	sfence  }
0xba: {  	s30 =	sld [smem:$0x0];
	_ =	sdelay $0x2  }
0xbb: {  	s31 =	sshll.u32 s1, $0xD;
	s1 =	sshrl.u32 s1, $0x2  }
0xbc: {  	s3 =	sand.u32 $0x4000, s31;
	s1 =	sadd.s32 s1, s30  }
0xbd: {  	s0 =	sor.u32 s3, s0;
	s1 =	sshll.u32 s1, $0x11  }
0xbe: {  	s0 =	sor.u32 s1, s0  }
0xbf: {  	s0 =	sadd.s32 $0x8F2B, s0  }
0xc0: {  	[sflag:s0] =	ssyncadd.remote.s32 $0x1  }
0xc1: {  	_ =	sfence.sel $0xFFFF  }
0xc2: {  	[dreg:$0x0] =	wrdreg $0xFFFFFFFF;
	(pc) =	sbr.abs _section_cstart, $3  }
0xc3: {  	[dreg:$0x1] =	wrdreg $0xFFFFFFFF  }
0xc4: {  	_ =	task.clear_ibuf [dreg:s9], $0x2FFFF;
	_ =	strace $0x9FFFFFFF  }
0xc5: {  	(tm) =	ssettm $0x7FFFFFFF  }
tec
execute0_lowered:
.L_overlay_start_1:
0x0: {  	(tag) =	ssettag $0x1  }
0x1: {  	v0 =	vimm.s32 $0xFEDCBA98;
	v1 =	vimm.s32 $0x76543210  }
0x2: {  	s4 =	rddreg [dreg:$0x0];
	v2 =	vimm.s32 $0xBA98FEDC;
	v3 =	vimm.s32 $0x32107654;
	v4 =	vimm.s32 $0xDCFE98BA  }
0x3: {  	s0 =	rddreg [dreg:$0x1];
	v5 =	vimm.s32 $0x54761032;
	v6 =	vimm.s32 $0xEFCDAB89;
	v7 =	vimm.s32 $0x67452301  }
0x4: {  	s5 =	rddreg [dreg:$0x2];
	vm0 =	vmmov $0x1;
	vm1 =	vcmask $0x320;
	vm2 =	vcmask $0x720  }
0x5: {  	s1 =	rddreg [dreg:$0x3];
	s2 =	simm.s32 $0x0;
	s6 =	srdreg.scid;
	vm3 =	vcmask $0xB20;
	vm4 =	vcmask $0xF20;
	vm5 =	vcmask $0x1320  }
0x6: {  	s3 =	stileid.u32;
	s11 =	simm.s32 $0x4800;
	s12 =	simm.s32 $0x0;
	v0 =	vunpack.c.l.s4.s8 v0;
	v1 =	vunpack.c.l.s4.s8 v1;
	v2 =	vunpack.c.l.s4.s8 v2  }
0x7: {  	v3 =	vunpack.c.l.s4.s8 v3;
	v4 =	vunpack.c.l.s4.s8 v4;
	v5 =	vunpack.c.l.s4.s8 v5;
	[smem:$0x7FF] =	sst s2;
	s6 =	sand.u32 $0x1, s6;
	s8 =	sshll.u32 s3, $0x8  }
0x8: {  	v6 =	vunpack.c.l.s4.s8 v6;
	v7 =	vunpack.c.l.s4.s8 v7;
	s9 =	sshrl.u32 s3, $0x2;
	_ =	strace $0x80000047;
	s7 =	ssub.s32 $0x2, s6;
	v0 =	vunpack.c.0.s8.s32 v0  }
0x9: {  	s6 =	sshll.u32 s6, $0x7;
	s8 =	sand.u32 $0x300, s8;
	s31 =	sshll.u32 s9, $0xE;
	v2 =	vunpack.c.0.s8.s32 v2;
	v3 =	vunpack.c.0.s8.s32 v3;
	v4 =	vunpack.c.0.s8.s32 v4  }
0xa: {  	s9 =	sshll.u32 s9, $0xA;
	v5 =	vunpack.c.0.s8.s32 v5;
	v6 =	vunpack.c.0.s8.s32 v6;
	v7 =	vunpack.c.0.s8.s32 v7;
	s6 =	sor.u32 s6, s8;
	s10 =	sshrl.u32 s7, $0x1  }
0xb: {  	vm6 =	vcmask $0x1720;
	v1 =	vunpack.c.0.s8.s32 v1;
	s8 =	sor.u32 s31, s6;
	s6 =	sor.u32 s9, s6;
	s7 =	ssub.s32 s7, s10;
	v2 =	vcombine.low v3, v2  }
0xc: {  	s9 =	simm.s32 $0x1;
	v3 =	vcombine.low v5, v4;
	v4 =	vcombine.low v7, v6;
	v0 =	vand.u32 $0xF, v0;
	s8 =	sshrl.u32 s8, $0x3;
	s6 =	sshrl.u32 s6, $0x3  }
0xd: {  	vm7 =	vcmask $0x1B20;
	s10 =	simm.s32 $0x800;
	v0 =	vcombine.low v0, v1;
	s4 =	sadd.s32 s4, s8;
	s5 =	sadd.s32 s5, s6;
	v1 =	vand.u32 $0xF, v2  }
0xe: {  	s6 =	smax.u32 s7, $0x1;
	s7 =	simm.s32 $0x80;
	s8 =	simm.s32 $0x400;
	v2 =	vand.u32 $0xF, v3;
	v3 =	vand.u32 $0xF, v4;
	v4 =	vlaneseq.u32  }
.LBB2_1:
0xf: {  	[tilespmem:s2], [sflag:$0x1] =	stream.strided.gather [hbm4b:s4+s7], $0x800, s8, s7, $0x38;
	[tilespmem:$0x4880] =	vst v63  }
0x10: {  	_ =	swait.ge [sflag:s9], $0x800  }
0x11: {  	[sflag:s9] =	ssyncset.done $0x0  }
0x12: {  	[sflag:s9] =	ssyncadd.s32 $0xFFFFF800  }
0x13: {  	[tilespmem:s10], [sflag:$0x1] =	stream.linear.gather [hbm4b:s0+s2], $0x4000, $0x38;
	[tilespmem:$0x4880] =	vst v63  }
0x14: {  	s13 =	sand.u32 $0x7, s2;
	_ =	swait.ge [sflag:s9], $0x4000  }
0x15: {  	s13 =	sshll.u32 s13, $0x4;
	[sflag:s9] =	ssyncset.done $0x0  }
0x16: {  	s13 =	sadd.s32 $0x0, s13;
	[sflag:s9] =	ssyncadd.s32 $0xFFFFC000  }
0x17: {  	s31 =	sand.u32 $0x70, s2;
	s14 =	sand.u32 $0x3C00, s2;
	s13 =	sor.u32 $0x380, s13;
	v5 =	vld [tilespmem:s2+$0x0]  }
0x18: {  	v6 =	vld [tilespmem:s13+$0x800];
	s13 =	sor.u32 s31, s14  }
0x19: {  	v18 =	vld [tilespmem:s13+$0x800]  }
0x1a: {  	v17 =	vld [tilespmem:s13+$0x880]  }
0x1b: {  	v7 =	vimm.f32 $0.0e+00;
	s15 =	simm.s32 $0x10;
	v14 =	vimm.f32 $0.0e+00;
	v15 =	vimm.f32 $0.0e+00;
	v12 =	vld [tilespmem:s13+$0x900]  }
0x1c: {  	v11 =	vimm.f32 $0.0e+00;
	v9 =	vimm.f32 $0.0e+00;
	s16 =	simm.s32 $0x20;
	s17 =	simm.s32 $0x0;
	v10 =	vimm.f32 $0.0e+00;
	s14 =	simm.s32 $0x1;
	v13 =	vld [tilespmem:s13+$0x980]  }
0x1d: {  	v8 =	vimm.f32 $0.0e+00;
	s19 =	sand.u32 $0x70, s15;
	s15 =	simm.s32 $0x0;
	s18 =	sand.u32 $0x7, s14;
	v16 =	vld [tilespmem:s13+$0xA00];
	v19 =	vmul.f32 v6, v5;
	v6 =	vimm.f32 $0.0e+00  }
.LBB2_2:
0x1e: {  	p0 =	sne.s32 s16, $0x7F0;
	s18 =	sshll.u32 s18, $0x4;
	v18 =	vmul.f32 v18, v5;
	v20 =	vld [tilespmem:s13+$0xA80];
	s17 =	sadd.s32 $0x80, s17  }
0x1f: {  	s15 =	sadd.s32 $0x10, s15;
	s18 =	sadd.s32 s18, s17;
	s20 =	sand.u32 $0x3C00, s17;
	v17 =	vmul.f32 v17, v5;
	v21 =	vld [tilespmem:s13+$0xB00];
	v7 =	vadd.f32 v19, v7  }
0x20: {  	v19 =	vld [tilespmem:s15+$0x0];
	s13 =	sor.u32 s19, s20;
	s18 =	sor.u32 $0x380, s18;
	v14 =	vadd.f32 v18, v14;
	v12 =	vmul.f32 v12, v5  }
0x21: {  	v22 =	vld [tilespmem:s18+$0x800];
	v15 =	vadd.f32 v17, v15;
	v13 =	vmul.f32 v13, v5  }
.Ltmp0:
0x22: {  	v18 =	vld [tilespmem:s13+$0x800];
	v11 =	vadd.f32 v12, v11;
	v16 =	vmul.f32 v16, v5;
	(pc) =	sbr.rel @p0 .LBB2_2-.Ltmp0, $4  }
0x23: {  	v17 =	vld [tilespmem:s13+$0x880];
	v9 =	vadd.f32 v13, v9;
	v20 =	vmul.f32 v20, v5  }
0x24: {  	v12 =	vld [tilespmem:s13+$0x900];
	v10 =	vadd.f32 v16, v10;
	v21 =	vmul.f32 v21, v5  }
0x25: {  	s14 =	sadd.s32 $0x1, s14;
	v13 =	vld [tilespmem:s13+$0x980];
	v8 =	vadd.f32 v20, v8;
	v5 =	vmov v19  }
0x26: {  	s19 =	sand.u32 $0x70, s16;
	s16 =	sadd.s32 $0x10, s16;
	s18 =	sand.u32 $0x7, s14;
	v16 =	vld [tilespmem:s13+$0xA00];
	v19 =	vmul.f32 v22, v5;
	v6 =	vadd.f32 v21, v6  }
0x27: {  	s14 =	sadd.s32 $0x80, s17;
	v59 =	vld [tilespmem:s13+$0xA80]  }
0x28: {  	s15 =	sadd.s32 $0x10, s15;
	v61 =	vld [tilespmem:s13+$0xB00];
	s16 =	sand.u32 $0x3C00, s14  }
0x29: {  	s30 =	sshll.u32 s18, $0x4;
	v20 =	vld [tilespmem:s15+$0x0];
	s29 =	sor.u32 s19, s16  }
0x2a: {  	s14 =	sadd.s32 s30, s14;
	v21 =	vld [tilespmem:s29+$0x800]  }
0x2b: {  	s31 =	sor.u32 $0x380, s14;
	v22 =	vld [tilespmem:s29+$0x880]  }
0x2c: {  	v62 =	vld [tilespmem:s31+$0x800]  }
0x2d: {  	v18 =	vmul.f32 v18, v5;
	v63 =	vld [tilespmem:s29+$0x900]  }
0x2e: {  	v17 =	vmul.f32 v17, v5;
	v7 =	vadd.f32 v19, v7;
	v12 =	vmul.f32 v12, v5;
	v26 =	vld [tilespmem:s29+$0x980]  }
0x2f: {  	v14 =	vadd.f32 v18, v14;
	v13 =	vmul.f32 v13, v5;
	v28 =	vld [tilespmem:s29+$0xA00];
	v25 =	vmul.f32 v16, v5  }
0x30: {  	v15 =	vadd.f32 v17, v15;
	v29 =	vld [tilespmem:s29+$0xA80];
	v11 =	vadd.f32 v12, v11;
	v27 =	vmul.f32 v59, v5  }
0x31: {  	v31 =	vld [tilespmem:s29+$0xB00];
	v9 =	vadd.f32 v13, v9;
	v5 =	vmul.f32 v61, v5;
	v10 =	vadd.f32 v25, v10  }
0x32: {  	v8 =	vadd.f32 v27, v8;
	v56 =	vmul.f32 v21, v20;
	v57 =	vmul.f32 v22, v20  }
0x33: {  	v5 =	vadd.f32 v5, v6;
	v30 =	vmul.f32 v62, v20;
	v6 =	vmul.f32 v63, v20  }
0x34: {  	v33 =	vmul.f32 v26, v20;
	v34 =	vmul.f32 v28, v20;
	v14 =	vadd.f32 v56, v14  }
0x35: {  	v12 =	vmul.f32 v29, v20;
	v15 =	vadd.f32 v57, v15;
	v7 =	vadd.f32 v30, v7  }
0x36: {  	v36 =	vmul.f32 v31, v20;
	v6 =	vadd.f32 v6, v11;
	v9 =	vadd.f32 v33, v9  }
0x37: {  	v10 =	vadd.f32 v34, v10;
	v8 =	vadd.f32 v12, v8;
	v60 =	vperm.xlane v15, v0  }
0x38: {  	v5 =	vadd.f32 v36, v5;
	v58 =	vperm.xlane v14, v0;
	v39 =	vperm.xlane v6, v0  }
0x39: {  	v41 =	vperm.xlane v9, v0;
	v42 =	vperm.xlane v10, v0;
	v15 =	vadd.f32 v60, v15  }
0x3a: {  	v43 =	vperm.xlane v8, v0;
	v45 =	vperm.xlane v5, v0;
	v14 =	vadd.f32 v58, v14  }
0x3b: {  	v6 =	vadd.f32 v39, v6;
	v9 =	vadd.f32 v41, v9;
	v23 =	vperm.xlane v15, v1  }
0x3c: {  	v47 =	vperm.xlane v7, v0;
	v10 =	vadd.f32 v42, v10;
	v8 =	vadd.f32 v43, v8  }
0x3d: {  	v24 =	vperm.xlane v14, v1;
	v44 =	vperm.xlane v6, v1;
	v15 =	vadd.f32 v23, v15  }
0x3e: {  	v5 =	vadd.f32 v45, v5;
	v46 =	vperm.xlane v9, v1;
	v48 =	vperm.xlane v10, v1  }
0x3f: {  	v7 =	vadd.f32 v47, v7;
	v49 =	vperm.xlane v8, v1;
	v32 =	vperm.xlane v15, v2  }
0x40: {  	v51 =	vperm.xlane v5, v1;
	v14 =	vadd.f32 v24, v14;
	v6 =	vadd.f32 v44, v6  }
0x41: {  	v52 =	vperm.xlane v7, v1;
	v9 =	vadd.f32 v46, v9;
	v15 =	vadd.f32 v32, v15  }
0x42: {  	v10 =	vadd.f32 v48, v10;
	v8 =	vadd.f32 v49, v8;
	v21 =	vperm.xlane v14, v2  }
0x43: {  	v5 =	vadd.f32 v51, v5;
	v7 =	vadd.f32 v52, v7;
	v37 =	vperm.xlane v15, v3  }
0x44: {  	v50 =	vperm.xlane v6, v2;
	v53 =	vperm.xlane v10, v2;
	v14 =	vadd.f32 v21, v14  }
0x45: {  	v54 =	vperm.xlane v8, v2;
	v40 =	vadd.f32 v37, v15;
	v15 =	vperm.xlane v9, v2  }
0x46: {  	v56 =	vperm.xlane v5, v2;
	v6 =	vadd.f32 v50, v6;
	v35 =	vperm.xlane v14, v3  }
0x47: {  	v57 =	vperm.xlane v7, v2;
	v10 =	vadd.f32 v53, v10;
	v9 =	vadd.f32 v15, v9  }
0x48: {  	v8 =	vadd.f32 v54, v8;
	v55 =	vperm.xlane v6, v3;
	v38 =	vadd.f32 v35, v14  }
0x49: {  	v5 =	vadd.f32 v56, v5;
	v7 =	vadd.f32 v57, v7;
	v15 =	vperm.xlane v9, v3  }
0x4a: {  	v58 =	vperm.xlane v10, v3;
	v6 =	vadd.f32 v55, v6;
	v12 =	vnsel vm0, $0xF149F2CA, v38  }
0x4b: {  	v59 =	vperm.xlane v8, v3;
	v11 =	vsel vm1, v12, v40;
	v9 =	vadd.f32 v15, v9  }
0x4c: {  	v60 =	vperm.xlane v5, v3;
	v10 =	vadd.f32 v58, v10;
	v6 =	vsel vm2, v11, v6  }
0x4d: {  	v61 =	vperm.xlane v7, v3;
	v8 =	vadd.f32 v59, v8;
	v6 =	vsel vm3, v6, v9  }
0x4e: {  	v5 =	vadd.f32 v60, v5;
	v6 =	vsel vm4, v6, v10  }
0x4f: {  	v7 =	vadd.f32 v61, v7;
	v6 =	vsel vm5, v6, v8  }
0x50: {  	v5 =	vsel vm6, v6, v5  }
0x51: {  	v5 =	vsel vm7, v5, v7  }
0x52: {  	v6 =	vperm.xlane v5, v0;
	_ =	sdelay $0x1  }
0x53: {  	v6 =	vmax.f32 v5, v6  }
0x54: {  	v7 =	vperm.xlane v6, v1;
	_ =	sdelay $0x1  }
0x55: {  	v6 =	vmax.f32 v6, v7  }
0x56: {  	v7 =	vperm.xlane v6, v2;
	_ =	sdelay $0x1  }
0x57: {  	v6 =	vmax.f32 v6, v7  }
0x58: {  	v7 =	vperm.xlane v6, v3;
	_ =	sdelay $0x1  }
0x59: {  	v6 =	vmax.f32 v6, v7  }
0x5a: {  	vm8 =	veq.f32 v5, v6  }
0x5b: {  	v7 =	vnsel vm8, $0x10, v4  }
0x5c: {  	v62 =	vperm.xlane v7, v0;
	_ =	sdelay $0x1  }
0x5d: {  	vm8 =	vlt.s32 v7, v62  }
0x5e: {  	v7 =	vsel vm8, v7, v62  }
0x5f: {  	v8 =	vperm.xlane v7, v1;
	_ =	sdelay $0x1  }
0x60: {  	vm8 =	vlt.s32 v7, v8  }
0x61: {  	v7 =	vsel vm8, v7, v8  }
0x62: {  	v8 =	vperm.xlane v7, v2;
	_ =	sdelay $0x1  }
0x63: {  	vm8 =	vlt.s32 v7, v8  }
0x64: {  	v7 =	vsel vm8, v7, v8  }
0x65: {  	v8 =	vperm.xlane v7, v3;
	_ =	sdelay $0x1  }
0x66: {  	vm8 =	vlt.s32 v7, v8  }
0x67: {  	v7 =	vsel vm8, v7, v8  }
0x68: {  	vm8 =	veq.s32 v7, v4  }
0x69: {  	v5 =	vsel vm8, $0xF149F2CA, v5  }
0x6a: {  	v7 =	vperm.xlane v5, v0;
	_ =	sdelay $0x1  }
0x6b: {  	v7 =	vmax.f32 v5, v7  }
0x6c: {  	v63 =	vperm.xlane v7, v1;
	_ =	sdelay $0x1  }
0x6d: {  	v7 =	vmax.f32 v7, v63  }
0x6e: {  	v8 =	vperm.xlane v7, v2;
	_ =	sdelay $0x1  }
0x6f: {  	v7 =	vmax.f32 v7, v8  }
0x70: {  	v8 =	vperm.xlane v7, v3;
	_ =	sdelay $0x1  }
0x71: {  	v7 =	vmax.f32 v7, v8  }
0x72: {  	v6 =	vsub.f32 v7, v6;
	_ =	sdelay $0x1  }
0x73: {  	v6 =	vmul.f32 $1.442695020e+00, v6;
	_ =	sdelay $0x1  }
0x74: {  	(erf) = vpow2.f32 v6;
	_ =	sdelay $0x4  }
0x75: {  	vm9 =	veq.f32 v5, v7  }
0x76: {  	v5 =	vnsel vm9, $0x10, v4  }
0x77: {  	v6 =	vperm.xlane v5, v0;
	_ =	sdelay $0x1  }
0x78: {  	vm9 =	vlt.s32 v5, v6;
	v7 =	vpop (erf)  }
0x79: {  	v5 =	vsel vm9, v5, v6;
	v6 =	vadd.f32 $1.000000000e+00, v7  }
0x7a: {  	v7 =	vperm.xlane v5, v1  }
0x7b: {  	(erf) = vrcp.f32 v6  }
0x7c: {  	vm9 =	vlt.s32 v5, v7  }
0x7d: {  	v5 =	vsel vm9, v5, v7  }
0x7e: {  	v6 =	vperm.xlane v5, v2;
	_ =	sdelay $0x1  }
0x7f: {  	vm9 =	vlt.s32 v5, v6  }
0x80: {  	v5 =	vsel vm9, v5, v6  }
0x81: {  	v6 =	vperm.xlane v5, v3;
	_ =	sdelay $0x1  }
0x82: {  	vm9 =	vlt.s32 v5, v6;
	v7 =	vpop (erf)  }
0x83: {  	v5 =	vsel vm9, v5, v6;
	v6 =	vsub.f32 $1.000000000e+00, v7  }
0x84: {  	vm9 =	veq.s32 v5, v4  }
0x85: {  	v5 =	vnsel vm8, $0x0, v7;
	v6 =	vnsel vm9, $0x0, v6  }
0x86: {  	s12 =	sadd.s32 $0x1, s12;
	v5 =	vadd.f32 v6, v5  }
0x87: {  	p0 =	sne.s32 s12, s6  }
.Ltmp1:
0x88: {  	[tilespmem:$0x4800] =	vst v5;
	(pc) =	sbr.rel @p0 .LBB2_1-.Ltmp1, $4  }
0x89: {  	[hbm4b:s5+s2] =	stream.linear.scatter [tilespmem:s11], [sflag:$0x1], $0x80, $0x38;
	[tilespmem:$0x4880] =	vst v63  }
0x8a: {  	_ =	swait.ge [sflag:s9], $0x80  }
0x8b: {  	[sflag:s9] =	ssyncset.done $0x0  }
0x8c: {  	[sflag:s9] =	ssyncadd.s32 $0xFFFFFF80  }
0x8d: {  	_ =	sfence.sel $0x180000  }
0x8e: {  	[bflag:$0x0] =	sbarrier.arrive $0xFFFF  }
0x8f: {  	p0 =	sne.s32 s3, $0x0;
	_ =	strace $0x90000047  }
0x90: {  	s0 =	sadd.s32 @!p0 $0x100000, s1;
	[bflag:$0x2] =	sbarrier.arrive $0xFFFF  }
0x91: {  	[sflag:s0] =	ssyncadd.tile.s32 @!p0 $0x1;
	_ =	shalt  }
.Lfunc_end2:
_tile_overlayer_lowered:
.L_overlay_start_2:
0x92: {  	(tag) =	ssettag $0x2  }
0x93: {  	s0 =	rddreg [dreg:$0x0];
	s2 =	stileid.u32  }
0x94: {  	s1 =	rddreg [dreg:$0x1];
	p0 =	sne.s32 s2, $0x0  }
0x95: {  	s3 =	rddreg [dreg:$0x2];
	[bflag:$0x3] =	sbarrier.arrive $0xFFFF;
	s2 =	simm.s32 @!p0 $0x1C01  }
0x96: {  	[timem:s3], [sflag:s2] =	dma.local @!p0 [hbm:s0], s1  }
0x97: {  	s0 =	simm.s32 @!p0 $0x1  }
0x98: {  	_ =	swait.ge @!p0 [sflag:s0], s1  }
0x99: {  	s1 =	ssub.s32 @!p0 $0x0, s1;
	[sflag:s0] =	ssyncset.done @!p0 $0x0  }
0x9a: {  	[sflag:s0] =	ssyncadd.s32 @!p0 s1  }
0x9b: {  	[bflag:$0x3] =	sbarrier.arrive $0xFFFF  }
0x9c: {  	_ =	shalt  }

</sc_bundles>
